<compile_context>
chip_gen: v7x
topology: tpu7x:2x2x1
jax: 0.10.2.dev20260603
libtpu: 0.0.44.dev20260713+nightly
codegen_flags: <defaults>
</compile_context>

<pallas_src>
import jax
import jax.numpy as jnp
from jax.experimental import pallas as pl
from jax.experimental.pallas import tpu as pltpu

HK = 4
HV = 8
DK = 128
DV = 128
KW = 4
QKV = DK * HK * 2 + DV * HV
SSM = HV * DV * DK
CONV = (KW - 1) * QKV
BLOCK = SSM + CONV
NB = 512
B = 128
LANE = 128
ROWS = BLOCK // LANE
SROWS = SSM // LANE
TROWS = QKV // LANE

_HIGH = jax.lax.Precision.HIGHEST


def _sigmoid(x):
    return 1.0 / (1.0 + jnp.exp(-x))


def _softplus(x):
    return jnp.maximum(x, 0.0) + jnp.log(1.0 + jnp.exp(-jnp.abs(x)))


def _conv_gate(mem_ref, mq_ref, cw_ref, b_ref, a_ref, dtb_ref, alog_ref):
    mq = mq_ref[0]
    c0 = mem_ref[0, SROWS:SROWS + TROWS, :]
    c1 = mem_ref[0, SROWS + TROWS:SROWS + 2 * TROWS, :]
    c2 = mem_ref[0, SROWS + 2 * TROWS:SROWS + 3 * TROWS, :]
    co = c0 * cw_ref[0] + c1 * cw_ref[1] + c2 * cw_ref[2] + mq * cw_ref[3]
    x = co * _sigmoid(co)
    g = -jnp.exp(alog_ref[:]) * _softplus(a_ref[0] + dtb_ref[:])
    beta = _sigmoid(b_ref[0])
    return x, g, beta


def _head_update(mem_ref, x, vcolT, g, beta, hh):
    h = hh // (HV // HK)
    qr = x[h:h + 1, :]
    kr = x[HK + h:HK + h + 1, :]
    qn = qr * jax.lax.rsqrt(jnp.sum(qr * qr) + 1e-6) * (DK ** -0.5)
    kn = kr * jax.lax.rsqrt(jnp.sum(kr * kr) + 1e-6)
    S = mem_ref[0, hh * DV:(hh + 1) * DV, :]
    Sg = S * jnp.exp(g[0, hh])
    kv = jnp.sum(Sg * kn, axis=1, keepdims=True)
    delta = (vcolT[:, hh:hh + 1] - kv) * beta[0, hh]
    Snew = Sg + delta * kn
    return Snew, qn


def _o_kernel(bi_ref, mem_ref, mq_ref, b_ref, a_ref, dtb_ref, alog_ref,
              cw_ref, o_ref):
    del bi_ref
    x, g, beta = _conv_gate(mem_ref, mq_ref, cw_ref, b_ref, a_ref,
                            dtb_ref, alog_ref)
    vcolT = x[2 * HK:, :].T
    ocols = []
    for hh in range(HV):
        Snew, qn = _head_update(mem_ref, x, vcolT, g, beta, hh)
        ocols.append(jnp.sum(Snew * qn, axis=1, keepdims=True))
    o_ref[0] = jnp.concatenate(ocols, axis=1).T


def _mem_kernel(tfb_ref, mem_ref, mq_ref, b_ref, a_ref, dtb_ref, alog_ref,
                cw_ref, out_ref):
    n = pl.program_id(0)
    tok = tfb_ref[n]

    @pl.when(tok < 0)
    def _copy():
        out_ref[0] = mem_ref[0]

    @pl.when(tok >= 0)
    def _update():
        x, g, beta = _conv_gate(mem_ref, mq_ref, cw_ref, b_ref, a_ref,
                                dtb_ref, alog_ref)
        vcolT = x[2 * HK:, :].T
        for hh in range(HV):
            Snew, _ = _head_update(mem_ref, x, vcolT, g, beta, hh)
            out_ref[0, hh * DV:(hh + 1) * DV, :] = Snew
        out_ref[0, SROWS:SROWS + 2 * TROWS, :] = (
            mem_ref[0, SROWS + TROWS:SROWS + 3 * TROWS, :])
        out_ref[0, SROWS + 2 * TROWS:SROWS + 3 * TROWS, :] = mq_ref[0]


def kernel(mixed_qkv, b, a, kv_cache_mem, conv_weights, dt_bias, alog,
           block_idx):
    f32 = jnp.float32
    mem3 = kv_cache_mem.reshape(NB, ROWS, LANE)
    mq3 = mixed_qkv.reshape(B, TROWS, LANE)
    cw3 = conv_weights.T.reshape(KW, TROWS, LANE)
    b3 = b.reshape(B, 1, HV)
    a3 = a.reshape(B, 1, HV)
    dtb2 = dt_bias.reshape(1, HV)
    alog2 = alog.reshape(1, HV)
    tfb = jnp.full((NB,), -1, jnp.int32).at[block_idx].set(
        jnp.arange(B, dtype=jnp.int32))

    o = pl.pallas_call(
        _o_kernel,
        grid_spec=pltpu.PrefetchScalarGridSpec(
            num_scalar_prefetch=1,
            grid=(B,),
            in_specs=[
                pl.BlockSpec((1, ROWS, LANE), lambda i, s: (s[i], 0, 0)),
                pl.BlockSpec((1, TROWS, LANE), lambda i, s: (i, 0, 0)),
            ] + _tok_specs(lambda s, i: i),
            out_specs=pl.BlockSpec((1, HV, DV), lambda i, s: (i, 0, 0)),
        ),
        out_shape=jax.ShapeDtypeStruct((B, HV, DV), f32),
    )(block_idx, mem3, mq3, b3, a3, dtb2, alog2, cw3)

    new3 = pl.pallas_call(
        _mem_kernel,
        grid_spec=pltpu.PrefetchScalarGridSpec(
            num_scalar_prefetch=1,
            grid=(NB,),
            in_specs=[
                pl.BlockSpec((1, ROWS, LANE), lambda n, s: (n, 0, 0)),
                pl.BlockSpec((1, TROWS, LANE),
                             lambda n, s: (jnp.maximum(s[n], 0), 0, 0)),
            ] + _tok_specs(lambda s, n: jnp.maximum(s[n], 0)),
            out_specs=pl.BlockSpec((1, ROWS, LANE), lambda n, s: (n, 0, 0)),
        ),
        out_shape=jax.ShapeDtypeStruct((NB, ROWS, LANE), f32),
    )(tfb, mem3, mq3, b3, a3, dtb2, alog2, cw3)

    return o, new3.reshape(NB, BLOCK)


def _tok_specs(tok_fn):
    return [
        pl.BlockSpec((1, 1, HV), lambda i, s: (tok_fn(s, i), 0, 0)),
        pl.BlockSpec((1, 1, HV), lambda i, s: (tok_fn(s, i), 0, 0)),
        pl.BlockSpec((1, HV), lambda i, s: (0, 0)),
        pl.BlockSpec((1, HV), lambda i, s: (0, 0)),
        pl.BlockSpec((KW, TROWS, LANE), lambda i, s: (0, 0, 0)),
    ]

# --- scband reference (transcript-rebuilt; emitter-appended) ---
"""Pipeline reference for scband-qwen3-next-gated-delta-net-decode-28750511079923 (READ-ONLY COPY).

The authoritative reference and input builder live on the scoring server;
editing this copy changes nothing except your own understanding.
"""

import jax, jax.numpy as jnp
import numpy as np

HK = 4
HV = 8
DK = 128
DV = 128
KW = 4
QKV = DK * HK * 2 + DV * HV  # 2048
SSM = HV * DV * DK           # 131072
CONV = (KW - 1) * QKV        # 6144
BLOCK = SSM + CONV           # 137216
NB = 512
B = 128

def setup_inputs(seed: int = 0):
    key = jax.random.key(seed)
    ks = jax.random.split(key, 8)
    mixed_qkv = jax.random.normal(ks[0], (B, QKV), jnp.float32)
    b = jax.random.normal(ks[1], (B, HV), jnp.float32)
    a = jax.random.normal(ks[2], (B, HV), jnp.float32)
    kv_cache_mem = jax.random.normal(ks[3], (NB, BLOCK), jnp.float32) * 0.1
    conv_weights = jax.random.normal(ks[4], (QKV, KW), jnp.float32) * 0.1
    dt_bias = jax.random.normal(ks[5], (HV,), jnp.float32)
    alog = jax.random.normal(ks[6], (HV,), jnp.float32)
    block_idx = jax.random.randint(ks[7], (B,), 0, NB, dtype=jnp.int32)
    return {"mixed_qkv": mixed_qkv, "b": b, "a": a, "kv_cache_mem": kv_cache_mem, "conv_weights": conv_weights, "dt_bias": dt_bias, "alog": alog, "block_idx": block_idx}

def _l2norm(t):
    return t / jnp.sqrt(jnp.sum(t * t, axis=-1, keepdims=True) + 1e-6)

def reference(mixed_qkv, b, a, kv_cache_mem, conv_weights, dt_bias, alog, block_idx):
    Bt = mixed_qkv.shape[0]
    # gather per-sequence paged state (ssm first, then conv tail) from block memory
    blocks = jnp.take(kv_cache_mem, block_idx, axis=0)
    ssm = blocks[:, :SSM].reshape(Bt, HV, DV, DK)
    conv_state = blocks[:, SSM:SSM + CONV].reshape(Bt, KW - 1, QKV)
    # causal_conv1d_update with silu activation (depthwise, kernel width KW)
    window = jnp.concatenate([conv_state, mixed_qkv[:, None, :]], axis=1)  # [B, KW, QKV]
    conv_out = jnp.einsum('bkc,ck->bc', window, conv_weights)
    x = conv_out * jax.nn.sigmoid(conv_out)
    new_conv = window[:, 1:, :]
    # split q/k/v heads
    qkv = x.reshape(Bt, HK * 2 + HV, DK)
    q, k, v = qkv[:, :HK], qkv[:, HK:2 * HK], qkv[:, 2 * HK:]
    # fused_gdn_gating: g = -exp(A_log) * softplus(a + dt_bias), beta = sigmoid(b)
    g = -jnp.exp(alog)[None, :] * jax.nn.softplus(a + dt_bias[None, :])
    beta = jax.nn.sigmoid(b)
    rep = HV // HK
    q = jnp.repeat(q, rep, axis=1)
    k = jnp.repeat(k, rep, axis=1)
    q = _l2norm(q) * (DK ** -0.5)
    k = _l2norm(k)
    # fused_recurrent_gated_delta_rule, single decode step
    S = ssm * jnp.exp(g)[:, :, None, None]
    kv_mem = jnp.einsum('bhvk,bhk->bhv', S, k)
    delta = (v - kv_mem) * beta[:, :, None]
    S = S + jnp.einsum('bhv,bhk->bhvk', delta, k)
    o = jnp.einsum('bhvk,bhk->bhv', S, q)  # [B, HV, DV]
    # inplace_final_state: scatter updated ssm + conv states back into paged memory
    new_block = jnp.concatenate([S.reshape(Bt, -1), new_conv.reshape(Bt, -1)], axis=1)
    new_mem = kv_cache_mem.at[block_idx].set(new_block)
    return o, new_mem

if __name__ == "__main__":
    import jax
    _d = setup_inputs()
    print(jax.jit(kernel)(*tuple(_d.values())))

</pallas_src>

<mosaic_0001>
module attributes {stable_mosaic.version = 14 : i64} {
  func.func @_o_kernel(%arg0: i32, %arg1: memref<128xi32, #tpu.memory_space<smem>>, %arg2: memref<1x1072x128xf32, #tpu.memory_space<vmem>>, %arg3: memref<1x16x128xf32, #tpu.memory_space<vmem>>, %arg4: memref<1x1x8xf32, #tpu.memory_space<vmem>>, %arg5: memref<1x1x8xf32, #tpu.memory_space<vmem>>, %arg6: memref<1x8xf32, #tpu.memory_space<vmem>>, %arg7: memref<1x8xf32, #tpu.memory_space<vmem>>, %arg8: memref<4x16x128xf32, #tpu.memory_space<vmem>>, %arg9: memref<1x8x128xf32, #tpu.memory_space<vmem>>) attributes {dimension_semantics = [#tpu.dimension_semantics<arbitrary>], iteration_bounds = array<i64: 128>, scalar_prefetch = 1 : i64, scratch_operands = 0 : i64, tpu.core_type = #tpu.core_type<tc>, window_params = [{transform_indices = @transform_0, window_bounds = array<i64: 1, 1072, 128>}, {transform_indices = @transform_1, window_bounds = array<i64: 1, 16, 128>}, {transform_indices = @transform_2, window_bounds = array<i64: 1, 1, 8>}, {transform_indices = @transform_3, window_bounds = array<i64: 1, 1, 8>}, {pipeline_mode = #tpu.pipeline_mode<synchronous>, transform_indices = @transform_4, window_bounds = array<i64: 1, 8>}, {pipeline_mode = #tpu.pipeline_mode<synchronous>, transform_indices = @transform_5, window_bounds = array<i64: 1, 8>}, {pipeline_mode = #tpu.pipeline_mode<synchronous>, transform_indices = @transform_6, window_bounds = array<i64: 4, 16, 128>}, {transform_indices = @transform_7, window_bounds = array<i64: 1, 8, 128>}]} {
    %get3A = arith.constant 0 : index
    %get3A_0 = arith.constant 0 : index
    %get3A_1 = arith.constant 0 : index
    %get3A_2 = vector.load %arg3[%get3A, %get3A_0, %get3A_1] : memref<1x16x128xf32, #tpu.memory_space<vmem>>, vector<1x16x128xf32>
    %get3A_3 = vector.shape_cast %get3A_2 : vector<1x16x128xf32> to vector<16x128xf32>
    %get3A_4 = arith.constant 0 : index
    %get3A_5 = arith.constant 1024 : index
    %get3A_6 = arith.constant 0 : index
    %get3A_7 = vector.load %arg2[%get3A_4, %get3A_5, %get3A_6] : memref<1x1072x128xf32, #tpu.memory_space<vmem>>, vector<1x16x128xf32>
    %get3A_8 = vector.shape_cast %get3A_7 : vector<1x16x128xf32> to vector<16x128xf32>
    %get3A_9 = arith.constant 0 : index
    %get3A_10 = arith.constant 1040 : index
    %get3A_11 = arith.constant 0 : index
    %get3A_12 = vector.load %arg2[%get3A_9, %get3A_10, %get3A_11] : memref<1x1072x128xf32, #tpu.memory_space<vmem>>, vector<1x16x128xf32>
    %get3A_13 = vector.shape_cast %get3A_12 : vector<1x16x128xf32> to vector<16x128xf32>
    %get3A_14 = arith.constant 0 : index
    %get3A_15 = arith.constant 1056 : index
    %get3A_16 = arith.constant 0 : index
    %get3A_17 = vector.load %arg2[%get3A_14, %get3A_15, %get3A_16] : memref<1x1072x128xf32, #tpu.memory_space<vmem>>, vector<1x16x128xf32>
    %get3A_18 = vector.shape_cast %get3A_17 : vector<1x16x128xf32> to vector<16x128xf32>
    %get3A_19 = arith.constant 0 : index
    %get3A_20 = arith.constant 0 : index
    %get3A_21 = arith.constant 0 : index
    %get3A_22 = vector.load %arg8[%get3A_19, %get3A_20, %get3A_21] : memref<4x16x128xf32, #tpu.memory_space<vmem>>, vector<1x16x128xf32>
    %get3A_23 = vector.shape_cast %get3A_22 : vector<1x16x128xf32> to vector<16x128xf32>
    %mul3A = arith.mulf %get3A_8, %get3A_23 : vector<16x128xf32>
    %get3A_24 = arith.constant 1 : index
    %get3A_25 = arith.constant 0 : index
    %get3A_26 = arith.constant 0 : index
    %get3A_27 = vector.load %arg8[%get3A_24, %get3A_25, %get3A_26] : memref<4x16x128xf32, #tpu.memory_space<vmem>>, vector<1x16x128xf32>
    %get3A_28 = vector.shape_cast %get3A_27 : vector<1x16x128xf32> to vector<16x128xf32>
    %mul3A_29 = arith.mulf %get3A_13, %get3A_28 : vector<16x128xf32>
    %add3A = arith.addf %mul3A, %mul3A_29 : vector<16x128xf32>
    %get3A_30 = arith.constant 2 : index
    %get3A_31 = arith.constant 0 : index
    %get3A_32 = arith.constant 0 : index
    %get3A_33 = vector.load %arg8[%get3A_30, %get3A_31, %get3A_32] : memref<4x16x128xf32, #tpu.memory_space<vmem>>, vector<1x16x128xf32>
    %get3A_34 = vector.shape_cast %get3A_33 : vector<1x16x128xf32> to vector<16x128xf32>
    %mul3A_35 = arith.mulf %get3A_18, %get3A_34 : vector<16x128xf32>
    %add3A_36 = arith.addf %add3A, %mul3A_35 : vector<16x128xf32>
    %get3A_37 = arith.constant 3 : index
    %get3A_38 = arith.constant 0 : index
    %get3A_39 = arith.constant 0 : index
    %get3A_40 = vector.load %arg8[%get3A_37, %get3A_38, %get3A_39] : memref<4x16x128xf32, #tpu.memory_space<vmem>>, vector<1x16x128xf32>
    %get3A_41 = vector.shape_cast %get3A_40 : vector<1x16x128xf32> to vector<16x128xf32>
    %mul3A_42 = arith.mulf %get3A_3, %get3A_41 : vector<16x128xf32>
    %add3A_43 = arith.addf %add3A_36, %mul3A_42 : vector<16x128xf32>
    %neg3A = arith.constant 0.000000e+00 : f32
    %neg3A_44 = vector.broadcast %neg3A : f32 to vector<16x128xf32>
    %neg3A_45 = arith.subf %neg3A_44, %add3A_43 : vector<16x128xf32>
    %exp3A = math.exp %neg3A_45 : vector<16x128xf32>
    %add3A_46 = arith.constant 1.000000e+00 : f32
    %add3A_47 = vector.broadcast %add3A_46 : f32 to vector<16x128xf32>
    %add3A_48 = arith.addf %add3A_47, %exp3A : vector<16x128xf32>
    %div3A = arith.constant 1.000000e+00 : f32
    %div3A_49 = vector.broadcast %div3A : f32 to vector<16x128xf32>
    %div3A_50 = arith.divf %div3A_49, %add3A_48 : vector<16x128xf32>
    %mul3A_51 = arith.mulf %add3A_43, %div3A_50 : vector<16x128xf32>
    %get3A_52 = arith.constant 0 : index
    %get3A_53 = arith.constant 0 : index
    %get3A_54 = vector.load %arg7[%get3A_52, %get3A_53] : memref<1x8xf32, #tpu.memory_space<vmem>>, vector<1x8xf32>
    %exp3A_55 = math.exp %get3A_54 : vector<1x8xf32>
    %neg3A_56 = arith.constant 0.000000e+00 : f32
    %neg3A_57 = vector.broadcast %neg3A_56 : f32 to vector<1x8xf32>
    %neg3A_58 = arith.subf %neg3A_57, %exp3A_55 : vector<1x8xf32>
    %get3A_59 = arith.constant 0 : index
    %get3A_60 = arith.constant 0 : index
    %get3A_61 = arith.constant 0 : index
    %get3A_62 = vector.load %arg5[%get3A_59, %get3A_60, %get3A_61] : memref<1x1x8xf32, #tpu.memory_space<vmem>>, vector<1x1x8xf32>
    %get3A_63 = vector.shape_cast %get3A_62 : vector<1x1x8xf32> to vector<1x8xf32>
    %get3A_64 = arith.constant 0 : index
    %get3A_65 = arith.constant 0 : index
    %get3A_66 = vector.load %arg6[%get3A_64, %get3A_65] : memref<1x8xf32, #tpu.memory_space<vmem>>, vector<1x8xf32>
    %add3A_67 = arith.addf %get3A_63, %get3A_66 : vector<1x8xf32>
    %max3A = arith.constant 0.000000e+00 : f32
    %max3A_68 = vector.broadcast %max3A : f32 to vector<1x8xf32>
    %max3A_69 = arith.maximumf %add3A_67, %max3A_68 : vector<1x8xf32>
    %abs3A = math.absf %add3A_67 : vector<1x8xf32>
    %neg3A_70 = arith.constant 0.000000e+00 : f32
    %neg3A_71 = vector.broadcast %neg3A_70 : f32 to vector<1x8xf32>
    %neg3A_72 = arith.subf %neg3A_71, %abs3A : vector<1x8xf32>
    %exp3A_73 = math.exp %neg3A_72 : vector<1x8xf32>
    %add3A_74 = arith.constant 1.000000e+00 : f32
    %add3A_75 = vector.broadcast %add3A_74 : f32 to vector<1x8xf32>
    %add3A_76 = arith.addf %add3A_75, %exp3A_73 : vector<1x8xf32>
    %log3A = math.log %add3A_76 : vector<1x8xf32>
    %add3A_77 = arith.addf %max3A_69, %log3A : vector<1x8xf32>
    %mul3A_78 = arith.mulf %neg3A_58, %add3A_77 : vector<1x8xf32>
    %get3A_79 = arith.constant 0 : index
    %get3A_80 = arith.constant 0 : index
    %get3A_81 = arith.constant 0 : index
    %get3A_82 = vector.load %arg4[%get3A_79, %get3A_80, %get3A_81] : memref<1x1x8xf32, #tpu.memory_space<vmem>>, vector<1x1x8xf32>
    %get3A_83 = vector.shape_cast %get3A_82 : vector<1x1x8xf32> to vector<1x8xf32>
    %neg3A_84 = arith.constant 0.000000e+00 : f32
    %neg3A_85 = vector.broadcast %neg3A_84 : f32 to vector<1x8xf32>
    %neg3A_86 = arith.subf %neg3A_85, %get3A_83 : vector<1x8xf32>
    %exp3A_87 = math.exp %neg3A_86 : vector<1x8xf32>
    %add3A_88 = arith.constant 1.000000e+00 : f32
    %add3A_89 = vector.broadcast %add3A_88 : f32 to vector<1x8xf32>
    %add3A_90 = arith.addf %add3A_89, %exp3A_87 : vector<1x8xf32>
    %div3A_91 = arith.constant 1.000000e+00 : f32
    %div3A_92 = vector.broadcast %div3A_91 : f32 to vector<1x8xf32>
    %div3A_93 = arith.divf %div3A_92, %add3A_90 : vector<1x8xf32>
    %slice3A = vector.extract_strided_slice %mul3A_51 {offsets = [8, 0], sizes = [8, 128], strides = [1, 1]} : vector<16x128xf32> to vector<8x128xf32>
    %transpose3A = tpu.transpose %slice3A, [1, 0] : vector<8x128xf32> -> vector<128x8xf32>
    %slice3A_94 = vector.extract_strided_slice %mul3A_51 {offsets = [0, 0], sizes = [1, 128], strides = [1, 1]} : vector<16x128xf32> to vector<1x128xf32>
    %slice3A_95 = vector.extract_strided_slice %mul3A_51 {offsets = [4, 0], sizes = [1, 128], strides = [1, 1]} : vector<16x128xf32> to vector<1x128xf32>
    %mul3A_96 = arith.mulf %slice3A_94, %slice3A_94 : vector<1x128xf32>
    %reduce_sum3A = vector.shape_cast %mul3A_96 : vector<1x128xf32> to vector<1x1x128xf32>
    %reduce_sum3A_97 = arith.constant dense<0.000000e+00> : vector<1xf32>
    %reduce_sum3A_98 = vector.multi_reduction <add>, %reduce_sum3A, %reduce_sum3A_97 [1, 2] : vector<1x1x128xf32> to vector<1xf32>
    %reduce_sum3A_99 = vector.shape_cast %reduce_sum3A_98 : vector<1xf32> to vector<1x1x1xf32>
    %reduce_sum3A_100 = vector.extract %reduce_sum3A_99[0, 0, 0] : f32 from vector<1x1x1xf32>
    %add3A_101 = arith.constant 9.99999997E-7 : f32
    %add3A_102 = arith.addf %reduce_sum3A_100, %add3A_101 : f32
    %rsqrt3A = math.rsqrt %add3A_102 : f32
    %mul3A_103 = vector.broadcast %rsqrt3A : f32 to vector<1x128xf32>
    %mul3A_104 = arith.mulf %slice3A_94, %mul3A_103 : vector<1x128xf32>
    %mul3A_105 = arith.constant 0.0883883461 : f32
    %mul3A_106 = vector.broadcast %mul3A_105 : f32 to vector<1x128xf32>
    %mul3A_107 = arith.mulf %mul3A_104, %mul3A_106 : vector<1x128xf32>
    %mul3A_108 = arith.mulf %slice3A_95, %slice3A_95 : vector<1x128xf32>
    %reduce_sum3A_109 = vector.shape_cast %mul3A_108 : vector<1x128xf32> to vector<1x1x128xf32>
    %reduce_sum3A_110 = arith.constant dense<0.000000e+00> : vector<1xf32>
    %reduce_sum3A_111 = vector.multi_reduction <add>, %reduce_sum3A_109, %reduce_sum3A_110 [1, 2] : vector<1x1x128xf32> to vector<1xf32>
    %reduce_sum3A_112 = vector.shape_cast %reduce_sum3A_111 : vector<1xf32> to vector<1x1x1xf32>
    %reduce_sum3A_113 = vector.extract %reduce_sum3A_112[0, 0, 0] : f32 from vector<1x1x1xf32>
    %add3A_114 = arith.constant 9.99999997E-7 : f32
    %add3A_115 = arith.addf %reduce_sum3A_113, %add3A_114 : f32
    %rsqrt3A_116 = math.rsqrt %add3A_115 : f32
    %mul3A_117 = vector.broadcast %rsqrt3A_116 : f32 to vector<1x128xf32>
    %mul3A_118 = arith.mulf %slice3A_95, %mul3A_117 : vector<1x128xf32>
    %get3A_119 = arith.constant 0 : index
    %get3A_120 = arith.constant 0 : index
    %get3A_121 = arith.constant 0 : index
    %get3A_122 = vector.load %arg2[%get3A_119, %get3A_120, %get3A_121] : memref<1x1072x128xf32, #tpu.memory_space<vmem>>, vector<1x128x128xf32>
    %get3A_123 = vector.shape_cast %get3A_122 : vector<1x128x128xf32> to vector<128x128xf32>
    %slice3A_124 = vector.extract_strided_slice %mul3A_78 {offsets = [0, 0], sizes = [1, 1], strides = [1, 1]} : vector<1x8xf32> to vector<1x1xf32>
    %squeeze3A = vector.extract %slice3A_124[0, 0] : f32 from vector<1x1xf32>
    %exp3A_125 = math.exp %squeeze3A : f32
    %mul3A_126 = vector.broadcast %exp3A_125 : f32 to vector<128x128xf32>
    %mul3A_127 = arith.mulf %get3A_123, %mul3A_126 : vector<128x128xf32>
    %mul3A_128 = vector.broadcast %mul3A_118 : vector<1x128xf32> to vector<128x128xf32>
    %mul3A_129 = arith.mulf %mul3A_127, %mul3A_128 : vector<128x128xf32>
    %reduce_sum3A_130 = arith.constant dense<0.000000e+00> : vector<128xf32>
    %reduce_sum3A_131 = vector.multi_reduction <add>, %mul3A_129, %reduce_sum3A_130 [1] : vector<128x128xf32> to vector<128xf32>
    %broadcast_in_dim3A = vector.shape_cast %reduce_sum3A_131 : vector<128xf32> to vector<128x1xf32>
    %slice3A_132 = vector.extract_strided_slice %transpose3A {offsets = [0, 0], sizes = [128, 1], strides = [1, 1]} : vector<128x8xf32> to vector<128x1xf32>
    %sub3A = arith.subf %slice3A_132, %broadcast_in_dim3A : vector<128x1xf32>
    %slice3A_133 = vector.extract_strided_slice %div3A_93 {offsets = [0, 0], sizes = [1, 1], strides = [1, 1]} : vector<1x8xf32> to vector<1x1xf32>
    %squeeze3A_134 = vector.extract %slice3A_133[0, 0] : f32 from vector<1x1xf32>
    %mul3A_135 = vector.broadcast %squeeze3A_134 : f32 to vector<128x1xf32>
    %mul3A_136 = arith.mulf %sub3A, %mul3A_135 : vector<128x1xf32>
    %mul3A_137 = vector.broadcast %mul3A_136 : vector<128x1xf32> to vector<128x128xf32>
    %mul3A_138 = vector.broadcast %mul3A_118 : vector<1x128xf32> to vector<128x128xf32>
    %mul3A_139 = arith.mulf %mul3A_137, %mul3A_138 : vector<128x128xf32>
    %add3A_140 = arith.addf %mul3A_127, %mul3A_139 : vector<128x128xf32>
    %mul3A_141 = vector.broadcast %mul3A_107 : vector<1x128xf32> to vector<128x128xf32>
    %mul3A_142 = arith.mulf %add3A_140, %mul3A_141 : vector<128x128xf32>
    %reduce_sum3A_143 = arith.constant dense<0.000000e+00> : vector<128xf32>
    %reduce_sum3A_144 = vector.multi_reduction <add>, %mul3A_142, %reduce_sum3A_143 [1] : vector<128x128xf32> to vector<128xf32>
    %broadcast_in_dim3A_145 = vector.shape_cast %reduce_sum3A_144 : vector<128xf32> to vector<128x1xf32>
    %slice3A_146 = vector.extract_strided_slice %mul3A_51 {offsets = [0, 0], sizes = [1, 128], strides = [1, 1]} : vector<16x128xf32> to vector<1x128xf32>
    %slice3A_147 = vector.extract_strided_slice %mul3A_51 {offsets = [4, 0], sizes = [1, 128], strides = [1, 1]} : vector<16x128xf32> to vector<1x128xf32>
    %mul3A_148 = arith.mulf %slice3A_146, %slice3A_146 : vector<1x128xf32>
    %reduce_sum3A_149 = vector.shape_cast %mul3A_148 : vector<1x128xf32> to vector<1x1x128xf32>
    %reduce_sum3A_150 = arith.constant dense<0.000000e+00> : vector<1xf32>
    %reduce_sum3A_151 = vector.multi_reduction <add>, %reduce_sum3A_149, %reduce_sum3A_150 [1, 2] : vector<1x1x128xf32> to vector<1xf32>
    %reduce_sum3A_152 = vector.shape_cast %reduce_sum3A_151 : vector<1xf32> to vector<1x1x1xf32>
    %reduce_sum3A_153 = vector.extract %reduce_sum3A_152[0, 0, 0] : f32 from vector<1x1x1xf32>
    %add3A_154 = arith.constant 9.99999997E-7 : f32
    %add3A_155 = arith.addf %reduce_sum3A_153, %add3A_154 : f32
    %rsqrt3A_156 = math.rsqrt %add3A_155 : f32
    %mul3A_157 = vector.broadcast %rsqrt3A_156 : f32 to vector<1x128xf32>
    %mul3A_158 = arith.mulf %slice3A_146, %mul3A_157 : vector<1x128xf32>
    %mul3A_159 = arith.constant 0.0883883461 : f32
    %mul3A_160 = vector.broadcast %mul3A_159 : f32 to vector<1x128xf32>
    %mul3A_161 = arith.mulf %mul3A_158, %mul3A_160 : vector<1x128xf32>
    %mul3A_162 = arith.mulf %slice3A_147, %slice3A_147 : vector<1x128xf32>
    %reduce_sum3A_163 = vector.shape_cast %mul3A_162 : vector<1x128xf32> to vector<1x1x128xf32>
    %reduce_sum3A_164 = arith.constant dense<0.000000e+00> : vector<1xf32>
    %reduce_sum3A_165 = vector.multi_reduction <add>, %reduce_sum3A_163, %reduce_sum3A_164 [1, 2] : vector<1x1x128xf32> to vector<1xf32>
    %reduce_sum3A_166 = vector.shape_cast %reduce_sum3A_165 : vector<1xf32> to vector<1x1x1xf32>
    %reduce_sum3A_167 = vector.extract %reduce_sum3A_166[0, 0, 0] : f32 from vector<1x1x1xf32>
    %add3A_168 = arith.constant 9.99999997E-7 : f32
    %add3A_169 = arith.addf %reduce_sum3A_167, %add3A_168 : f32
    %rsqrt3A_170 = math.rsqrt %add3A_169 : f32
    %mul3A_171 = vector.broadcast %rsqrt3A_170 : f32 to vector<1x128xf32>
    %mul3A_172 = arith.mulf %slice3A_147, %mul3A_171 : vector<1x128xf32>
    %get3A_173 = arith.constant 0 : index
    %get3A_174 = arith.constant 128 : index
    %get3A_175 = arith.constant 0 : index
    %get3A_176 = vector.load %arg2[%get3A_173, %get3A_174, %get3A_175] : memref<1x1072x128xf32, #tpu.memory_space<vmem>>, vector<1x128x128xf32>
    %get3A_177 = vector.shape_cast %get3A_176 : vector<1x128x128xf32> to vector<128x128xf32>
    %slice3A_178 = vector.extract_strided_slice %mul3A_78 {offsets = [0, 1], sizes = [1, 1], strides = [1, 1]} : vector<1x8xf32> to vector<1x1xf32>
    %squeeze3A_179 = vector.extract %slice3A_178[0, 0] : f32 from vector<1x1xf32>
    %exp3A_180 = math.exp %squeeze3A_179 : f32
    %mul3A_181 = vector.broadcast %exp3A_180 : f32 to vector<128x128xf32>
    %mul3A_182 = arith.mulf %get3A_177, %mul3A_181 : vector<128x128xf32>
    %mul3A_183 = vector.broadcast %mul3A_172 : vector<1x128xf32> to vector<128x128xf32>
    %mul3A_184 = arith.mulf %mul3A_182, %mul3A_183 : vector<128x128xf32>
    %reduce_sum3A_185 = arith.constant dense<0.000000e+00> : vector<128xf32>
    %reduce_sum3A_186 = vector.multi_reduction <add>, %mul3A_184, %reduce_sum3A_185 [1] : vector<128x128xf32> to vector<128xf32>
    %broadcast_in_dim3A_187 = vector.shape_cast %reduce_sum3A_186 : vector<128xf32> to vector<128x1xf32>
    %slice3A_188 = vector.extract_strided_slice %transpose3A {offsets = [0, 1], sizes = [128, 1], strides = [1, 1]} : vector<128x8xf32> to vector<128x1xf32>
    %sub3A_189 = arith.subf %slice3A_188, %broadcast_in_dim3A_187 : vector<128x1xf32>
    %slice3A_190 = vector.extract_strided_slice %div3A_93 {offsets = [0, 1], sizes = [1, 1], strides = [1, 1]} : vector<1x8xf32> to vector<1x1xf32>
    %squeeze3A_191 = vector.extract %slice3A_190[0, 0] : f32 from vector<1x1xf32>
    %mul3A_192 = vector.broadcast %squeeze3A_191 : f32 to vector<128x1xf32>
    %mul3A_193 = arith.mulf %sub3A_189, %mul3A_192 : vector<128x1xf32>
    %mul3A_194 = vector.broadcast %mul3A_193 : vector<128x1xf32> to vector<128x128xf32>
    %mul3A_195 = vector.broadcast %mul3A_172 : vector<1x128xf32> to vector<128x128xf32>
    %mul3A_196 = arith.mulf %mul3A_194, %mul3A_195 : vector<128x128xf32>
    %add3A_197 = arith.addf %mul3A_182, %mul3A_196 : vector<128x128xf32>
    %mul3A_198 = vector.broadcast %mul3A_161 : vector<1x128xf32> to vector<128x128xf32>
    %mul3A_199 = arith.mulf %add3A_197, %mul3A_198 : vector<128x128xf32>
    %reduce_sum3A_200 = arith.constant dense<0.000000e+00> : vector<128xf32>
    %reduce_sum3A_201 = vector.multi_reduction <add>, %mul3A_199, %reduce_sum3A_200 [1] : vector<128x128xf32> to vector<128xf32>
    %broadcast_in_dim3A_202 = vector.shape_cast %reduce_sum3A_201 : vector<128xf32> to vector<128x1xf32>
    %slice3A_203 = vector.extract_strided_slice %mul3A_51 {offsets = [1, 0], sizes = [1, 128], strides = [1, 1]} : vector<16x128xf32> to vector<1x128xf32>
    %slice3A_204 = vector.extract_strided_slice %mul3A_51 {offsets = [5, 0], sizes = [1, 128], strides = [1, 1]} : vector<16x128xf32> to vector<1x128xf32>
    %mul3A_205 = arith.mulf %slice3A_203, %slice3A_203 : vector<1x128xf32>
    %reduce_sum3A_206 = vector.shape_cast %mul3A_205 : vector<1x128xf32> to vector<1x1x128xf32>
    %reduce_sum3A_207 = arith.constant dense<0.000000e+00> : vector<1xf32>
    %reduce_sum3A_208 = vector.multi_reduction <add>, %reduce_sum3A_206, %reduce_sum3A_207 [1, 2] : vector<1x1x128xf32> to vector<1xf32>
    %reduce_sum3A_209 = vector.shape_cast %reduce_sum3A_208 : vector<1xf32> to vector<1x1x1xf32>
    %reduce_sum3A_210 = vector.extract %reduce_sum3A_209[0, 0, 0] : f32 from vector<1x1x1xf32>
    %add3A_211 = arith.constant 9.99999997E-7 : f32
    %add3A_212 = arith.addf %reduce_sum3A_210, %add3A_211 : f32
    %rsqrt3A_213 = math.rsqrt %add3A_212 : f32
    %mul3A_214 = vector.broadcast %rsqrt3A_213 : f32 to vector<1x128xf32>
    %mul3A_215 = arith.mulf %slice3A_203, %mul3A_214 : vector<1x128xf32>
    %mul3A_216 = arith.constant 0.0883883461 : f32
    %mul3A_217 = vector.broadcast %mul3A_216 : f32 to vector<1x128xf32>
    %mul3A_218 = arith.mulf %mul3A_215, %mul3A_217 : vector<1x128xf32>
    %mul3A_219 = arith.mulf %slice3A_204, %slice3A_204 : vector<1x128xf32>
    %reduce_sum3A_220 = vector.shape_cast %mul3A_219 : vector<1x128xf32> to vector<1x1x128xf32>
    %reduce_sum3A_221 = arith.constant dense<0.000000e+00> : vector<1xf32>
    %reduce_sum3A_222 = vector.multi_reduction <add>, %reduce_sum3A_220, %reduce_sum3A_221 [1, 2] : vector<1x1x128xf32> to vector<1xf32>
    %reduce_sum3A_223 = vector.shape_cast %reduce_sum3A_222 : vector<1xf32> to vector<1x1x1xf32>
    %reduce_sum3A_224 = vector.extract %reduce_sum3A_223[0, 0, 0] : f32 from vector<1x1x1xf32>
    %add3A_225 = arith.constant 9.99999997E-7 : f32
    %add3A_226 = arith.addf %reduce_sum3A_224, %add3A_225 : f32
    %rsqrt3A_227 = math.rsqrt %add3A_226 : f32
    %mul3A_228 = vector.broadcast %rsqrt3A_227 : f32 to vector<1x128xf32>
    %mul3A_229 = arith.mulf %slice3A_204, %mul3A_228 : vector<1x128xf32>
    %get3A_230 = arith.constant 0 : index
    %get3A_231 = arith.constant 256 : index
    %get3A_232 = arith.constant 0 : index
    %get3A_233 = vector.load %arg2[%get3A_230, %get3A_231, %get3A_232] : memref<1x1072x128xf32, #tpu.memory_space<vmem>>, vector<1x128x128xf32>
    %get3A_234 = vector.shape_cast %get3A_233 : vector<1x128x128xf32> to vector<128x128xf32>
    %slice3A_235 = vector.extract_strided_slice %mul3A_78 {offsets = [0, 2], sizes = [1, 1], strides = [1, 1]} : vector<1x8xf32> to vector<1x1xf32>
    %squeeze3A_236 = vector.extract %slice3A_235[0, 0] : f32 from vector<1x1xf32>
    %exp3A_237 = math.exp %squeeze3A_236 : f32
    %mul3A_238 = vector.broadcast %exp3A_237 : f32 to vector<128x128xf32>
    %mul3A_239 = arith.mulf %get3A_234, %mul3A_238 : vector<128x128xf32>
    %mul3A_240 = vector.broadcast %mul3A_229 : vector<1x128xf32> to vector<128x128xf32>
    %mul3A_241 = arith.mulf %mul3A_239, %mul3A_240 : vector<128x128xf32>
    %reduce_sum3A_242 = arith.constant dense<0.000000e+00> : vector<128xf32>
    %reduce_sum3A_243 = vector.multi_reduction <add>, %mul3A_241, %reduce_sum3A_242 [1] : vector<128x128xf32> to vector<128xf32>
    %broadcast_in_dim3A_244 = vector.shape_cast %reduce_sum3A_243 : vector<128xf32> to vector<128x1xf32>
    %slice3A_245 = vector.extract_strided_slice %transpose3A {offsets = [0, 2], sizes = [128, 1], strides = [1, 1]} : vector<128x8xf32> to vector<128x1xf32>
    %sub3A_246 = arith.subf %slice3A_245, %broadcast_in_dim3A_244 : vector<128x1xf32>
    %slice3A_247 = vector.extract_strided_slice %div3A_93 {offsets = [0, 2], sizes = [1, 1], strides = [1, 1]} : vector<1x8xf32> to vector<1x1xf32>
    %squeeze3A_248 = vector.extract %slice3A_247[0, 0] : f32 from vector<1x1xf32>
    %mul3A_249 = vector.broadcast %squeeze3A_248 : f32 to vector<128x1xf32>
    %mul3A_250 = arith.mulf %sub3A_246, %mul3A_249 : vector<128x1xf32>
    %mul3A_251 = vector.broadcast %mul3A_250 : vector<128x1xf32> to vector<128x128xf32>
    %mul3A_252 = vector.broadcast %mul3A_229 : vector<1x128xf32> to vector<128x128xf32>
    %mul3A_253 = arith.mulf %mul3A_251, %mul3A_252 : vector<128x128xf32>
    %add3A_254 = arith.addf %mul3A_239, %mul3A_253 : vector<128x128xf32>
    %mul3A_255 = vector.broadcast %mul3A_218 : vector<1x128xf32> to vector<128x128xf32>
    %mul3A_256 = arith.mulf %add3A_254, %mul3A_255 : vector<128x128xf32>
    %reduce_sum3A_257 = arith.constant dense<0.000000e+00> : vector<128xf32>
    %reduce_sum3A_258 = vector.multi_reduction <add>, %mul3A_256, %reduce_sum3A_257 [1] : vector<128x128xf32> to vector<128xf32>
    %broadcast_in_dim3A_259 = vector.shape_cast %reduce_sum3A_258 : vector<128xf32> to vector<128x1xf32>
    %slice3A_260 = vector.extract_strided_slice %mul3A_51 {offsets = [1, 0], sizes = [1, 128], strides = [1, 1]} : vector<16x128xf32> to vector<1x128xf32>
    %slice3A_261 = vector.extract_strided_slice %mul3A_51 {offsets = [5, 0], sizes = [1, 128], strides = [1, 1]} : vector<16x128xf32> to vector<1x128xf32>
    %mul3A_262 = arith.mulf %slice3A_260, %slice3A_260 : vector<1x128xf32>
    %reduce_sum3A_263 = vector.shape_cast %mul3A_262 : vector<1x128xf32> to vector<1x1x128xf32>
    %reduce_sum3A_264 = arith.constant dense<0.000000e+00> : vector<1xf32>
    %reduce_sum3A_265 = vector.multi_reduction <add>, %reduce_sum3A_263, %reduce_sum3A_264 [1, 2] : vector<1x1x128xf32> to vector<1xf32>
    %reduce_sum3A_266 = vector.shape_cast %reduce_sum3A_265 : vector<1xf32> to vector<1x1x1xf32>
    %reduce_sum3A_267 = vector.extract %reduce_sum3A_266[0, 0, 0] : f32 from vector<1x1x1xf32>
    %add3A_268 = arith.constant 9.99999997E-7 : f32
    %add3A_269 = arith.addf %reduce_sum3A_267, %add3A_268 : f32
    %rsqrt3A_270 = math.rsqrt %add3A_269 : f32
    %mul3A_271 = vector.broadcast %rsqrt3A_270 : f32 to vector<1x128xf32>
    %mul3A_272 = arith.mulf %slice3A_260, %mul3A_271 : vector<1x128xf32>
    %mul3A_273 = arith.constant 0.0883883461 : f32
    %mul3A_274 = vector.broadcast %mul3A_273 : f32 to vector<1x128xf32>
    %mul3A_275 = arith.mulf %mul3A_272, %mul3A_274 : vector<1x128xf32>
    %mul3A_276 = arith.mulf %slice3A_261, %slice3A_261 : vector<1x128xf32>
    %reduce_sum3A_277 = vector.shape_cast %mul3A_276 : vector<1x128xf32> to vector<1x1x128xf32>
    %reduce_sum3A_278 = arith.constant dense<0.000000e+00> : vector<1xf32>
    %reduce_sum3A_279 = vector.multi_reduction <add>, %reduce_sum3A_277, %reduce_sum3A_278 [1, 2] : vector<1x1x128xf32> to vector<1xf32>
    %reduce_sum3A_280 = vector.shape_cast %reduce_sum3A_279 : vector<1xf32> to vector<1x1x1xf32>
    %reduce_sum3A_281 = vector.extract %reduce_sum3A_280[0, 0, 0] : f32 from vector<1x1x1xf32>
    %add3A_282 = arith.constant 9.99999997E-7 : f32
    %add3A_283 = arith.addf %reduce_sum3A_281, %add3A_282 : f32
    %rsqrt3A_284 = math.rsqrt %add3A_283 : f32
    %mul3A_285 = vector.broadcast %rsqrt3A_284 : f32 to vector<1x128xf32>
    %mul3A_286 = arith.mulf %slice3A_261, %mul3A_285 : vector<1x128xf32>
    %get3A_287 = arith.constant 0 : index
    %get3A_288 = arith.constant 384 : index
    %get3A_289 = arith.constant 0 : index
    %get3A_290 = vector.load %arg2[%get3A_287, %get3A_288, %get3A_289] : memref<1x1072x128xf32, #tpu.memory_space<vmem>>, vector<1x128x128xf32>
    %get3A_291 = vector.shape_cast %get3A_290 : vector<1x128x128xf32> to vector<128x128xf32>
    %slice3A_292 = vector.extract_strided_slice %mul3A_78 {offsets = [0, 3], sizes = [1, 1], strides = [1, 1]} : vector<1x8xf32> to vector<1x1xf32>
    %squeeze3A_293 = vector.extract %slice3A_292[0, 0] : f32 from vector<1x1xf32>
    %exp3A_294 = math.exp %squeeze3A_293 : f32
    %mul3A_295 = vector.broadcast %exp3A_294 : f32 to vector<128x128xf32>
    %mul3A_296 = arith.mulf %get3A_291, %mul3A_295 : vector<128x128xf32>
    %mul3A_297 = vector.broadcast %mul3A_286 : vector<1x128xf32> to vector<128x128xf32>
    %mul3A_298 = arith.mulf %mul3A_296, %mul3A_297 : vector<128x128xf32>
    %reduce_sum3A_299 = arith.constant dense<0.000000e+00> : vector<128xf32>
    %reduce_sum3A_300 = vector.multi_reduction <add>, %mul3A_298, %reduce_sum3A_299 [1] : vector<128x128xf32> to vector<128xf32>
    %broadcast_in_dim3A_301 = vector.shape_cast %reduce_sum3A_300 : vector<128xf32> to vector<128x1xf32>
    %slice3A_302 = vector.extract_strided_slice %transpose3A {offsets = [0, 3], sizes = [128, 1], strides = [1, 1]} : vector<128x8xf32> to vector<128x1xf32>
    %sub3A_303 = arith.subf %slice3A_302, %broadcast_in_dim3A_301 : vector<128x1xf32>
    %slice3A_304 = vector.extract_strided_slice %div3A_93 {offsets = [0, 3], sizes = [1, 1], strides = [1, 1]} : vector<1x8xf32> to vector<1x1xf32>
    %squeeze3A_305 = vector.extract %slice3A_304[0, 0] : f32 from vector<1x1xf32>
    %mul3A_306 = vector.broadcast %squeeze3A_305 : f32 to vector<128x1xf32>
    %mul3A_307 = arith.mulf %sub3A_303, %mul3A_306 : vector<128x1xf32>
    %mul3A_308 = vector.broadcast %mul3A_307 : vector<128x1xf32> to vector<128x128xf32>
    %mul3A_309 = vector.broadcast %mul3A_286 : vector<1x128xf32> to vector<128x128xf32>
    %mul3A_310 = arith.mulf %mul3A_308, %mul3A_309 : vector<128x128xf32>
    %add3A_311 = arith.addf %mul3A_296, %mul3A_310 : vector<128x128xf32>
    %mul3A_312 = vector.broadcast %mul3A_275 : vector<1x128xf32> to vector<128x128xf32>
    %mul3A_313 = arith.mulf %add3A_311, %mul3A_312 : vector<128x128xf32>
    %reduce_sum3A_314 = arith.constant dense<0.000000e+00> : vector<128xf32>
    %reduce_sum3A_315 = vector.multi_reduction <add>, %mul3A_313, %reduce_sum3A_314 [1] : vector<128x128xf32> to vector<128xf32>
    %broadcast_in_dim3A_316 = vector.shape_cast %reduce_sum3A_315 : vector<128xf32> to vector<128x1xf32>
    %slice3A_317 = vector.extract_strided_slice %mul3A_51 {offsets = [2, 0], sizes = [1, 128], strides = [1, 1]} : vector<16x128xf32> to vector<1x128xf32>
    %slice3A_318 = vector.extract_strided_slice %mul3A_51 {offsets = [6, 0], sizes = [1, 128], strides = [1, 1]} : vector<16x128xf32> to vector<1x128xf32>
    %mul3A_319 = arith.mulf %slice3A_317, %slice3A_317 : vector<1x128xf32>
    %reduce_sum3A_320 = vector.shape_cast %mul3A_319 : vector<1x128xf32> to vector<1x1x128xf32>
    %reduce_sum3A_321 = arith.constant dense<0.000000e+00> : vector<1xf32>
    %reduce_sum3A_322 = vector.multi_reduction <add>, %reduce_sum3A_320, %reduce_sum3A_321 [1, 2] : vector<1x1x128xf32> to vector<1xf32>
    %reduce_sum3A_323 = vector.shape_cast %reduce_sum3A_322 : vector<1xf32> to vector<1x1x1xf32>
    %reduce_sum3A_324 = vector.extract %reduce_sum3A_323[0, 0, 0] : f32 from vector<1x1x1xf32>
    %add3A_325 = arith.constant 9.99999997E-7 : f32
    %add3A_326 = arith.addf %reduce_sum3A_324, %add3A_325 : f32
    %rsqrt3A_327 = math.rsqrt %add3A_326 : f32
    %mul3A_328 = vector.broadcast %rsqrt3A_327 : f32 to vector<1x128xf32>
    %mul3A_329 = arith.mulf %slice3A_317, %mul3A_328 : vector<1x128xf32>
    %mul3A_330 = arith.constant 0.0883883461 : f32
    %mul3A_331 = vector.broadcast %mul3A_330 : f32 to vector<1x128xf32>
    %mul3A_332 = arith.mulf %mul3A_329, %mul3A_331 : vector<1x128xf32>
    %mul3A_333 = arith.mulf %slice3A_318, %slice3A_318 : vector<1x128xf32>
    %reduce_sum3A_334 = vector.shape_cast %mul3A_333 : vector<1x128xf32> to vector<1x1x128xf32>
    %reduce_sum3A_335 = arith.constant dense<0.000000e+00> : vector<1xf32>
    %reduce_sum3A_336 = vector.multi_reduction <add>, %reduce_sum3A_334, %reduce_sum3A_335 [1, 2] : vector<1x1x128xf32> to vector<1xf32>
    %reduce_sum3A_337 = vector.shape_cast %reduce_sum3A_336 : vector<1xf32> to vector<1x1x1xf32>
    %reduce_sum3A_338 = vector.extract %reduce_sum3A_337[0, 0, 0] : f32 from vector<1x1x1xf32>
    %add3A_339 = arith.constant 9.99999997E-7 : f32
    %add3A_340 = arith.addf %reduce_sum3A_338, %add3A_339 : f32
    %rsqrt3A_341 = math.rsqrt %add3A_340 : f32
    %mul3A_342 = vector.broadcast %rsqrt3A_341 : f32 to vector<1x128xf32>
    %mul3A_343 = arith.mulf %slice3A_318, %mul3A_342 : vector<1x128xf32>
    %get3A_344 = arith.constant 0 : index
    %get3A_345 = arith.constant 512 : index
    %get3A_346 = arith.constant 0 : index
    %get3A_347 = vector.load %arg2[%get3A_344, %get3A_345, %get3A_346] : memref<1x1072x128xf32, #tpu.memory_space<vmem>>, vector<1x128x128xf32>
    %get3A_348 = vector.shape_cast %get3A_347 : vector<1x128x128xf32> to vector<128x128xf32>
    %slice3A_349 = vector.extract_strided_slice %mul3A_78 {offsets = [0, 4], sizes = [1, 1], strides = [1, 1]} : vector<1x8xf32> to vector<1x1xf32>
    %squeeze3A_350 = vector.extract %slice3A_349[0, 0] : f32 from vector<1x1xf32>
    %exp3A_351 = math.exp %squeeze3A_350 : f32
    %mul3A_352 = vector.broadcast %exp3A_351 : f32 to vector<128x128xf32>
    %mul3A_353 = arith.mulf %get3A_348, %mul3A_352 : vector<128x128xf32>
    %mul3A_354 = vector.broadcast %mul3A_343 : vector<1x128xf32> to vector<128x128xf32>
    %mul3A_355 = arith.mulf %mul3A_353, %mul3A_354 : vector<128x128xf32>
    %reduce_sum3A_356 = arith.constant dense<0.000000e+00> : vector<128xf32>
    %reduce_sum3A_357 = vector.multi_reduction <add>, %mul3A_355, %reduce_sum3A_356 [1] : vector<128x128xf32> to vector<128xf32>
    %broadcast_in_dim3A_358 = vector.shape_cast %reduce_sum3A_357 : vector<128xf32> to vector<128x1xf32>
    %slice3A_359 = vector.extract_strided_slice %transpose3A {offsets = [0, 4], sizes = [128, 1], strides = [1, 1]} : vector<128x8xf32> to vector<128x1xf32>
    %sub3A_360 = arith.subf %slice3A_359, %broadcast_in_dim3A_358 : vector<128x1xf32>
    %slice3A_361 = vector.extract_strided_slice %div3A_93 {offsets = [0, 4], sizes = [1, 1], strides = [1, 1]} : vector<1x8xf32> to vector<1x1xf32>
    %squeeze3A_362 = vector.extract %slice3A_361[0, 0] : f32 from vector<1x1xf32>
    %mul3A_363 = vector.broadcast %squeeze3A_362 : f32 to vector<128x1xf32>
    %mul3A_364 = arith.mulf %sub3A_360, %mul3A_363 : vector<128x1xf32>
    %mul3A_365 = vector.broadcast %mul3A_364 : vector<128x1xf32> to vector<128x128xf32>
    %mul3A_366 = vector.broadcast %mul3A_343 : vector<1x128xf32> to vector<128x128xf32>
    %mul3A_367 = arith.mulf %mul3A_365, %mul3A_366 : vector<128x128xf32>
    %add3A_368 = arith.addf %mul3A_353, %mul3A_367 : vector<128x128xf32>
    %mul3A_369 = vector.broadcast %mul3A_332 : vector<1x128xf32> to vector<128x128xf32>
    %mul3A_370 = arith.mulf %add3A_368, %mul3A_369 : vector<128x128xf32>
    %reduce_sum3A_371 = arith.constant dense<0.000000e+00> : vector<128xf32>
    %reduce_sum3A_372 = vector.multi_reduction <add>, %mul3A_370, %reduce_sum3A_371 [1] : vector<128x128xf32> to vector<128xf32>
    %broadcast_in_dim3A_373 = vector.shape_cast %reduce_sum3A_372 : vector<128xf32> to vector<128x1xf32>
    %slice3A_374 = vector.extract_strided_slice %mul3A_51 {offsets = [2, 0], sizes = [1, 128], strides = [1, 1]} : vector<16x128xf32> to vector<1x128xf32>
    %slice3A_375 = vector.extract_strided_slice %mul3A_51 {offsets = [6, 0], sizes = [1, 128], strides = [1, 1]} : vector<16x128xf32> to vector<1x128xf32>
    %mul3A_376 = arith.mulf %slice3A_374, %slice3A_374 : vector<1x128xf32>
    %reduce_sum3A_377 = vector.shape_cast %mul3A_376 : vector<1x128xf32> to vector<1x1x128xf32>
    %reduce_sum3A_378 = arith.constant dense<0.000000e+00> : vector<1xf32>
    %reduce_sum3A_379 = vector.multi_reduction <add>, %reduce_sum3A_377, %reduce_sum3A_378 [1, 2] : vector<1x1x128xf32> to vector<1xf32>
    %reduce_sum3A_380 = vector.shape_cast %reduce_sum3A_379 : vector<1xf32> to vector<1x1x1xf32>
    %reduce_sum3A_381 = vector.extract %reduce_sum3A_380[0, 0, 0] : f32 from vector<1x1x1xf32>
    %add3A_382 = arith.constant 9.99999997E-7 : f32
    %add3A_383 = arith.addf %reduce_sum3A_381, %add3A_382 : f32
    %rsqrt3A_384 = math.rsqrt %add3A_383 : f32
    %mul3A_385 = vector.broadcast %rsqrt3A_384 : f32 to vector<1x128xf32>
    %mul3A_386 = arith.mulf %slice3A_374, %mul3A_385 : vector<1x128xf32>
    %mul3A_387 = arith.constant 0.0883883461 : f32
    %mul3A_388 = vector.broadcast %mul3A_387 : f32 to vector<1x128xf32>
    %mul3A_389 = arith.mulf %mul3A_386, %mul3A_388 : vector<1x128xf32>
    %mul3A_390 = arith.mulf %slice3A_375, %slice3A_375 : vector<1x128xf32>
    %reduce_sum3A_391 = vector.shape_cast %mul3A_390 : vector<1x128xf32> to vector<1x1x128xf32>
    %reduce_sum3A_392 = arith.constant dense<0.000000e+00> : vector<1xf32>
    %reduce_sum3A_393 = vector.multi_reduction <add>, %reduce_sum3A_391, %reduce_sum3A_392 [1, 2] : vector<1x1x128xf32> to vector<1xf32>
    %reduce_sum3A_394 = vector.shape_cast %reduce_sum3A_393 : vector<1xf32> to vector<1x1x1xf32>
    %reduce_sum3A_395 = vector.extract %reduce_sum3A_394[0, 0, 0] : f32 from vector<1x1x1xf32>
    %add3A_396 = arith.constant 9.99999997E-7 : f32
    %add3A_397 = arith.addf %reduce_sum3A_395, %add3A_396 : f32
    %rsqrt3A_398 = math.rsqrt %add3A_397 : f32
    %mul3A_399 = vector.broadcast %rsqrt3A_398 : f32 to vector<1x128xf32>
    %mul3A_400 = arith.mulf %slice3A_375, %mul3A_399 : vector<1x128xf32>
    %get3A_401 = arith.constant 0 : index
    %get3A_402 = arith.constant 640 : index
    %get3A_403 = arith.constant 0 : index
    %get3A_404 = vector.load %arg2[%get3A_401, %get3A_402, %get3A_403] : memref<1x1072x128xf32, #tpu.memory_space<vmem>>, vector<1x128x128xf32>
    %get3A_405 = vector.shape_cast %get3A_404 : vector<1x128x128xf32> to vector<128x128xf32>
    %slice3A_406 = vector.extract_strided_slice %mul3A_78 {offsets = [0, 5], sizes = [1, 1], strides = [1, 1]} : vector<1x8xf32> to vector<1x1xf32>
    %squeeze3A_407 = vector.extract %slice3A_406[0, 0] : f32 from vector<1x1xf32>
    %exp3A_408 = math.exp %squeeze3A_407 : f32
    %mul3A_409 = vector.broadcast %exp3A_408 : f32 to vector<128x128xf32>
    %mul3A_410 = arith.mulf %get3A_405, %mul3A_409 : vector<128x128xf32>
    %mul3A_411 = vector.broadcast %mul3A_400 : vector<1x128xf32> to vector<128x128xf32>
    %mul3A_412 = arith.mulf %mul3A_410, %mul3A_411 : vector<128x128xf32>
    %reduce_sum3A_413 = arith.constant dense<0.000000e+00> : vector<128xf32>
    %reduce_sum3A_414 = vector.multi_reduction <add>, %mul3A_412, %reduce_sum3A_413 [1] : vector<128x128xf32> to vector<128xf32>
    %broadcast_in_dim3A_415 = vector.shape_cast %reduce_sum3A_414 : vector<128xf32> to vector<128x1xf32>
    %slice3A_416 = vector.extract_strided_slice %transpose3A {offsets = [0, 5], sizes = [128, 1], strides = [1, 1]} : vector<128x8xf32> to vector<128x1xf32>
    %sub3A_417 = arith.subf %slice3A_416, %broadcast_in_dim3A_415 : vector<128x1xf32>
    %slice3A_418 = vector.extract_strided_slice %div3A_93 {offsets = [0, 5], sizes = [1, 1], strides = [1, 1]} : vector<1x8xf32> to vector<1x1xf32>
    %squeeze3A_419 = vector.extract %slice3A_418[0, 0] : f32 from vector<1x1xf32>
    %mul3A_420 = vector.broadcast %squeeze3A_419 : f32 to vector<128x1xf32>
    %mul3A_421 = arith.mulf %sub3A_417, %mul3A_420 : vector<128x1xf32>
    %mul3A_422 = vector.broadcast %mul3A_421 : vector<128x1xf32> to vector<128x128xf32>
    %mul3A_423 = vector.broadcast %mul3A_400 : vector<1x128xf32> to vector<128x128xf32>
    %mul3A_424 = arith.mulf %mul3A_422, %mul3A_423 : vector<128x128xf32>
    %add3A_425 = arith.addf %mul3A_410, %mul3A_424 : vector<128x128xf32>
    %mul3A_426 = vector.broadcast %mul3A_389 : vector<1x128xf32> to vector<128x128xf32>
    %mul3A_427 = arith.mulf %add3A_425, %mul3A_426 : vector<128x128xf32>
    %reduce_sum3A_428 = arith.constant dense<0.000000e+00> : vector<128xf32>
    %reduce_sum3A_429 = vector.multi_reduction <add>, %mul3A_427, %reduce_sum3A_428 [1] : vector<128x128xf32> to vector<128xf32>
    %broadcast_in_dim3A_430 = vector.shape_cast %reduce_sum3A_429 : vector<128xf32> to vector<128x1xf32>
    %slice3A_431 = vector.extract_strided_slice %mul3A_51 {offsets = [3, 0], sizes = [1, 128], strides = [1, 1]} : vector<16x128xf32> to vector<1x128xf32>
    %slice3A_432 = vector.extract_strided_slice %mul3A_51 {offsets = [7, 0], sizes = [1, 128], strides = [1, 1]} : vector<16x128xf32> to vector<1x128xf32>
    %mul3A_433 = arith.mulf %slice3A_431, %slice3A_431 : vector<1x128xf32>
    %reduce_sum3A_434 = vector.shape_cast %mul3A_433 : vector<1x128xf32> to vector<1x1x128xf32>
    %reduce_sum3A_435 = arith.constant dense<0.000000e+00> : vector<1xf32>
    %reduce_sum3A_436 = vector.multi_reduction <add>, %reduce_sum3A_434, %reduce_sum3A_435 [1, 2] : vector<1x1x128xf32> to vector<1xf32>
    %reduce_sum3A_437 = vector.shape_cast %reduce_sum3A_436 : vector<1xf32> to vector<1x1x1xf32>
    %reduce_sum3A_438 = vector.extract %reduce_sum3A_437[0, 0, 0] : f32 from vector<1x1x1xf32>
    %add3A_439 = arith.constant 9.99999997E-7 : f32
    %add3A_440 = arith.addf %reduce_sum3A_438, %add3A_439 : f32
    %rsqrt3A_441 = math.rsqrt %add3A_440 : f32
    %mul3A_442 = vector.broadcast %rsqrt3A_441 : f32 to vector<1x128xf32>
    %mul3A_443 = arith.mulf %slice3A_431, %mul3A_442 : vector<1x128xf32>
    %mul3A_444 = arith.constant 0.0883883461 : f32
    %mul3A_445 = vector.broadcast %mul3A_444 : f32 to vector<1x128xf32>
    %mul3A_446 = arith.mulf %mul3A_443, %mul3A_445 : vector<1x128xf32>
    %mul3A_447 = arith.mulf %slice3A_432, %slice3A_432 : vector<1x128xf32>
    %reduce_sum3A_448 = vector.shape_cast %mul3A_447 : vector<1x128xf32> to vector<1x1x128xf32>
    %reduce_sum3A_449 = arith.constant dense<0.000000e+00> : vector<1xf32>
    %reduce_sum3A_450 = vector.multi_reduction <add>, %reduce_sum3A_448, %reduce_sum3A_449 [1, 2] : vector<1x1x128xf32> to vector<1xf32>
    %reduce_sum3A_451 = vector.shape_cast %reduce_sum3A_450 : vector<1xf32> to vector<1x1x1xf32>
    %reduce_sum3A_452 = vector.extract %reduce_sum3A_451[0, 0, 0] : f32 from vector<1x1x1xf32>
    %add3A_453 = arith.constant 9.99999997E-7 : f32
    %add3A_454 = arith.addf %reduce_sum3A_452, %add3A_453 : f32
    %rsqrt3A_455 = math.rsqrt %add3A_454 : f32
    %mul3A_456 = vector.broadcast %rsqrt3A_455 : f32 to vector<1x128xf32>
    %mul3A_457 = arith.mulf %slice3A_432, %mul3A_456 : vector<1x128xf32>
    %get3A_458 = arith.constant 0 : index
    %get3A_459 = arith.constant 768 : index
    %get3A_460 = arith.constant 0 : index
    %get3A_461 = vector.load %arg2[%get3A_458, %get3A_459, %get3A_460] : memref<1x1072x128xf32, #tpu.memory_space<vmem>>, vector<1x128x128xf32>
    %get3A_462 = vector.shape_cast %get3A_461 : vector<1x128x128xf32> to vector<128x128xf32>
    %slice3A_463 = vector.extract_strided_slice %mul3A_78 {offsets = [0, 6], sizes = [1, 1], strides = [1, 1]} : vector<1x8xf32> to vector<1x1xf32>
    %squeeze3A_464 = vector.extract %slice3A_463[0, 0] : f32 from vector<1x1xf32>
    %exp3A_465 = math.exp %squeeze3A_464 : f32
    %mul3A_466 = vector.broadcast %exp3A_465 : f32 to vector<128x128xf32>
    %mul3A_467 = arith.mulf %get3A_462, %mul3A_466 : vector<128x128xf32>
    %mul3A_468 = vector.broadcast %mul3A_457 : vector<1x128xf32> to vector<128x128xf32>
    %mul3A_469 = arith.mulf %mul3A_467, %mul3A_468 : vector<128x128xf32>
    %reduce_sum3A_470 = arith.constant dense<0.000000e+00> : vector<128xf32>
    %reduce_sum3A_471 = vector.multi_reduction <add>, %mul3A_469, %reduce_sum3A_470 [1] : vector<128x128xf32> to vector<128xf32>
    %broadcast_in_dim3A_472 = vector.shape_cast %reduce_sum3A_471 : vector<128xf32> to vector<128x1xf32>
    %slice3A_473 = vector.extract_strided_slice %transpose3A {offsets = [0, 6], sizes = [128, 1], strides = [1, 1]} : vector<128x8xf32> to vector<128x1xf32>
    %sub3A_474 = arith.subf %slice3A_473, %broadcast_in_dim3A_472 : vector<128x1xf32>
    %slice3A_475 = vector.extract_strided_slice %div3A_93 {offsets = [0, 6], sizes = [1, 1], strides = [1, 1]} : vector<1x8xf32> to vector<1x1xf32>
    %squeeze3A_476 = vector.extract %slice3A_475[0, 0] : f32 from vector<1x1xf32>
    %mul3A_477 = vector.broadcast %squeeze3A_476 : f32 to vector<128x1xf32>
    %mul3A_478 = arith.mulf %sub3A_474, %mul3A_477 : vector<128x1xf32>
    %mul3A_479 = vector.broadcast %mul3A_478 : vector<128x1xf32> to vector<128x128xf32>
    %mul3A_480 = vector.broadcast %mul3A_457 : vector<1x128xf32> to vector<128x128xf32>
    %mul3A_481 = arith.mulf %mul3A_479, %mul3A_480 : vector<128x128xf32>
    %add3A_482 = arith.addf %mul3A_467, %mul3A_481 : vector<128x128xf32>
    %mul3A_483 = vector.broadcast %mul3A_446 : vector<1x128xf32> to vector<128x128xf32>
    %mul3A_484 = arith.mulf %add3A_482, %mul3A_483 : vector<128x128xf32>
    %reduce_sum3A_485 = arith.constant dense<0.000000e+00> : vector<128xf32>
    %reduce_sum3A_486 = vector.multi_reduction <add>, %mul3A_484, %reduce_sum3A_485 [1] : vector<128x128xf32> to vector<128xf32>
    %broadcast_in_dim3A_487 = vector.shape_cast %reduce_sum3A_486 : vector<128xf32> to vector<128x1xf32>
    %slice3A_488 = vector.extract_strided_slice %mul3A_51 {offsets = [3, 0], sizes = [1, 128], strides = [1, 1]} : vector<16x128xf32> to vector<1x128xf32>
    %slice3A_489 = vector.extract_strided_slice %mul3A_51 {offsets = [7, 0], sizes = [1, 128], strides = [1, 1]} : vector<16x128xf32> to vector<1x128xf32>
    %mul3A_490 = arith.mulf %slice3A_488, %slice3A_488 : vector<1x128xf32>
    %reduce_sum3A_491 = vector.shape_cast %mul3A_490 : vector<1x128xf32> to vector<1x1x128xf32>
    %reduce_sum3A_492 = arith.constant dense<0.000000e+00> : vector<1xf32>
    %reduce_sum3A_493 = vector.multi_reduction <add>, %reduce_sum3A_491, %reduce_sum3A_492 [1, 2] : vector<1x1x128xf32> to vector<1xf32>
    %reduce_sum3A_494 = vector.shape_cast %reduce_sum3A_493 : vector<1xf32> to vector<1x1x1xf32>
    %reduce_sum3A_495 = vector.extract %reduce_sum3A_494[0, 0, 0] : f32 from vector<1x1x1xf32>
    %add3A_496 = arith.constant 9.99999997E-7 : f32
    %add3A_497 = arith.addf %reduce_sum3A_495, %add3A_496 : f32
    %rsqrt3A_498 = math.rsqrt %add3A_497 : f32
    %mul3A_499 = vector.broadcast %rsqrt3A_498 : f32 to vector<1x128xf32>
    %mul3A_500 = arith.mulf %slice3A_488, %mul3A_499 : vector<1x128xf32>
    %mul3A_501 = arith.constant 0.0883883461 : f32
    %mul3A_502 = vector.broadcast %mul3A_501 : f32 to vector<1x128xf32>
    %mul3A_503 = arith.mulf %mul3A_500, %mul3A_502 : vector<1x128xf32>
    %mul3A_504 = arith.mulf %slice3A_489, %slice3A_489 : vector<1x128xf32>
    %reduce_sum3A_505 = vector.shape_cast %mul3A_504 : vector<1x128xf32> to vector<1x1x128xf32>
    %reduce_sum3A_506 = arith.constant dense<0.000000e+00> : vector<1xf32>
    %reduce_sum3A_507 = vector.multi_reduction <add>, %reduce_sum3A_505, %reduce_sum3A_506 [1, 2] : vector<1x1x128xf32> to vector<1xf32>
    %reduce_sum3A_508 = vector.shape_cast %reduce_sum3A_507 : vector<1xf32> to vector<1x1x1xf32>
    %reduce_sum3A_509 = vector.extract %reduce_sum3A_508[0, 0, 0] : f32 from vector<1x1x1xf32>
    %add3A_510 = arith.constant 9.99999997E-7 : f32
    %add3A_511 = arith.addf %reduce_sum3A_509, %add3A_510 : f32
    %rsqrt3A_512 = math.rsqrt %add3A_511 : f32
    %mul3A_513 = vector.broadcast %rsqrt3A_512 : f32 to vector<1x128xf32>
    %mul3A_514 = arith.mulf %slice3A_489, %mul3A_513 : vector<1x128xf32>
    %get3A_515 = arith.constant 0 : index
    %get3A_516 = arith.constant 896 : index
    %get3A_517 = arith.constant 0 : index
    %get3A_518 = vector.load %arg2[%get3A_515, %get3A_516, %get3A_517] : memref<1x1072x128xf32, #tpu.memory_space<vmem>>, vector<1x128x128xf32>
    %get3A_519 = vector.shape_cast %get3A_518 : vector<1x128x128xf32> to vector<128x128xf32>
    %slice3A_520 = vector.extract_strided_slice %mul3A_78 {offsets = [0, 7], sizes = [1, 1], strides = [1, 1]} : vector<1x8xf32> to vector<1x1xf32>
    %squeeze3A_521 = vector.extract %slice3A_520[0, 0] : f32 from vector<1x1xf32>
    %exp3A_522 = math.exp %squeeze3A_521 : f32
    %mul3A_523 = vector.broadcast %exp3A_522 : f32 to vector<128x128xf32>
    %mul3A_524 = arith.mulf %get3A_519, %mul3A_523 : vector<128x128xf32>
    %mul3A_525 = vector.broadcast %mul3A_514 : vector<1x128xf32> to vector<128x128xf32>
    %mul3A_526 = arith.mulf %mul3A_524, %mul3A_525 : vector<128x128xf32>
    %reduce_sum3A_527 = arith.constant dense<0.000000e+00> : vector<128xf32>
    %reduce_sum3A_528 = vector.multi_reduction <add>, %mul3A_526, %reduce_sum3A_527 [1] : vector<128x128xf32> to vector<128xf32>
    %broadcast_in_dim3A_529 = vector.shape_cast %reduce_sum3A_528 : vector<128xf32> to vector<128x1xf32>
    %slice3A_530 = vector.extract_strided_slice %transpose3A {offsets = [0, 7], sizes = [128, 1], strides = [1, 1]} : vector<128x8xf32> to vector<128x1xf32>
    %sub3A_531 = arith.subf %slice3A_530, %broadcast_in_dim3A_529 : vector<128x1xf32>
    %slice3A_532 = vector.extract_strided_slice %div3A_93 {offsets = [0, 7], sizes = [1, 1], strides = [1, 1]} : vector<1x8xf32> to vector<1x1xf32>
    %squeeze3A_533 = vector.extract %slice3A_532[0, 0] : f32 from vector<1x1xf32>
    %mul3A_534 = vector.broadcast %squeeze3A_533 : f32 to vector<128x1xf32>
    %mul3A_535 = arith.mulf %sub3A_531, %mul3A_534 : vector<128x1xf32>
    %mul3A_536 = vector.broadcast %mul3A_535 : vector<128x1xf32> to vector<128x128xf32>
    %mul3A_537 = vector.broadcast %mul3A_514 : vector<1x128xf32> to vector<128x128xf32>
    %mul3A_538 = arith.mulf %mul3A_536, %mul3A_537 : vector<128x128xf32>
    %add3A_539 = arith.addf %mul3A_524, %mul3A_538 : vector<128x128xf32>
    %mul3A_540 = vector.broadcast %mul3A_503 : vector<1x128xf32> to vector<128x128xf32>
    %mul3A_541 = arith.mulf %add3A_539, %mul3A_540 : vector<128x128xf32>
    %reduce_sum3A_542 = arith.constant dense<0.000000e+00> : vector<128xf32>
    %reduce_sum3A_543 = vector.multi_reduction <add>, %mul3A_541, %reduce_sum3A_542 [1] : vector<128x128xf32> to vector<128xf32>
    %broadcast_in_dim3A_544 = vector.shape_cast %reduce_sum3A_543 : vector<128xf32> to vector<128x1xf32>
    %concatenate3A = tpu.concatenate %broadcast_in_dim3A_145, %broadcast_in_dim3A_202, %broadcast_in_dim3A_259, %broadcast_in_dim3A_316, %broadcast_in_dim3A_373, %broadcast_in_dim3A_430, %broadcast_in_dim3A_487, %broadcast_in_dim3A_544 in 1 : vector<128x1xf32>, vector<128x1xf32>, vector<128x1xf32>, vector<128x1xf32>, vector<128x1xf32>, vector<128x1xf32>, vector<128x1xf32>, vector<128x1xf32> -> vector<128x8xf32>
    %transpose3A_545 = tpu.transpose %concatenate3A, [1, 0] : vector<128x8xf32> -> vector<8x128xf32>
    %swap3A = arith.constant 0 : index
    %swap3A_546 = arith.constant 0 : index
    %swap3A_547 = arith.constant 0 : index
    %swap3A_548 = vector.load %arg9[%swap3A, %swap3A_546, %swap3A_547] : memref<1x8x128xf32, #tpu.memory_space<vmem>>, vector<1x8x128xf32>
    %swap3A_549 = vector.shape_cast %swap3A_548 : vector<1x8x128xf32> to vector<8x128xf32>
    %swap3A_550 = vector.shape_cast %transpose3A_545 : vector<8x128xf32> to vector<1x8x128xf32>
    tpu.vector_store %arg9[%swap3A, %swap3A_546, %swap3A_547], %swap3A_550 {strides = array<i32>} : memref<1x8x128xf32, #tpu.memory_space<vmem>>, vector<1x8x128xf32>,
    return
  }
  func.func @transform_0(%arg0: i32, %arg1: memref<128xi32, #tpu.memory_space<smem>>) -> (i32, i32, i32) {
    %get3A = arith.index_cast %arg0 : i32 to index
    %get3A_0 = memref.load %arg1[%get3A] : memref<128xi32, #tpu.memory_space<smem>>
    %c0_i32 = arith.constant 0 : i32
    %c0_i32_1 = arith.constant 0 : i32
    %c0_i32_2 = arith.constant 0 : i32
    return %get3A_0, %c0_i32, %c0_i32_1 : i32, i32, i32
  }
  func.func @transform_1(%arg0: i32, %arg1: memref<128xi32, #tpu.memory_space<smem>>) -> (i32, i32, i32) {
    %c0_i32 = arith.constant 0 : i32
    %c0_i32_0 = arith.constant 0 : i32
    %c0_i32_1 = arith.constant 0 : i32
    return %arg0, %c0_i32, %c0_i32_0 : i32, i32, i32
  }
  func.func @transform_2(%arg0: i32, %arg1: memref<128xi32, #tpu.memory_space<smem>>) -> (i32, i32, i32) {
    %c0_i32 = arith.constant 0 : i32
    %c0_i32_0 = arith.constant 0 : i32
    %c0_i32_1 = arith.constant 0 : i32
    return %arg0, %c0_i32, %c0_i32_0 : i32, i32, i32
  }
  func.func @transform_3(%arg0: i32, %arg1: memref<128xi32, #tpu.memory_space<smem>>) -> (i32, i32, i32) {
    %c0_i32 = arith.constant 0 : i32
    %c0_i32_0 = arith.constant 0 : i32
    %c0_i32_1 = arith.constant 0 : i32
    return %arg0, %c0_i32, %c0_i32_0 : i32, i32, i32
  }
  func.func @transform_4(%arg0: i32, %arg1: memref<128xi32, #tpu.memory_space<smem>>) -> (i32, i32) {
    %c0_i32 = arith.constant 0 : i32
    %c0_i32_0 = arith.constant 0 : i32
    %c0_i32_1 = arith.constant 0 : i32
    return %c0_i32, %c0_i32_0 : i32, i32
  }
  func.func @transform_5(%arg0: i32, %arg1: memref<128xi32, #tpu.memory_space<smem>>) -> (i32, i32) {
    %c0_i32 = arith.constant 0 : i32
    %c0_i32_0 = arith.constant 0 : i32
    %c0_i32_1 = arith.constant 0 : i32
    return %c0_i32, %c0_i32_0 : i32, i32
  }
  func.func @transform_6(%arg0: i32, %arg1: memref<128xi32, #tpu.memory_space<smem>>) -> (i32, i32, i32) {
    %c0_i32 = arith.constant 0 : i32
    %c0_i32_0 = arith.constant 0 : i32
    %c0_i32_1 = arith.constant 0 : i32
    %c0_i32_2 = arith.constant 0 : i32
    return %c0_i32, %c0_i32_0, %c0_i32_1 : i32, i32, i32
  }
  func.func @transform_7(%arg0: i32, %arg1: memref<128xi32, #tpu.memory_space<smem>>) -> (i32, i32, i32) {
    %c0_i32 = arith.constant 0 : i32
    %c0_i32_0 = arith.constant 0 : i32
    %c0_i32_1 = arith.constant 0 : i32
    return %arg0, %c0_i32, %c0_i32_0 : i32, i32, i32
  }
}

module attributes {stable_mosaic.version = 14 : i64} {
  func.func @_mem_kernel(%arg0: i32, %arg1: memref<512xi32, #tpu.memory_space<smem>>, %arg2: memref<1x1072x128xf32, #tpu.memory_space<vmem>>, %arg3: memref<1x16x128xf32, #tpu.memory_space<vmem>>, %arg4: memref<1x1x8xf32, #tpu.memory_space<vmem>>, %arg5: memref<1x1x8xf32, #tpu.memory_space<vmem>>, %arg6: memref<1x8xf32, #tpu.memory_space<vmem>>, %arg7: memref<1x8xf32, #tpu.memory_space<vmem>>, %arg8: memref<4x16x128xf32, #tpu.memory_space<vmem>>, %arg9: memref<1x1072x128xf32, #tpu.memory_space<vmem>>) attributes {dimension_semantics = [#tpu.dimension_semantics<arbitrary>], iteration_bounds = array<i64: 512>, scalar_prefetch = 1 : i64, scratch_operands = 0 : i64, tpu.core_type = #tpu.core_type<tc>, window_params = [{transform_indices = @transform_0, window_bounds = array<i64: 1, 1072, 128>}, {transform_indices = @transform_1, window_bounds = array<i64: 1, 16, 128>}, {transform_indices = @transform_2, window_bounds = array<i64: 1, 1, 8>}, {transform_indices = @transform_3, window_bounds = array<i64: 1, 1, 8>}, {pipeline_mode = #tpu.pipeline_mode<synchronous>, transform_indices = @transform_4, window_bounds = array<i64: 1, 8>}, {pipeline_mode = #tpu.pipeline_mode<synchronous>, transform_indices = @transform_5, window_bounds = array<i64: 1, 8>}, {pipeline_mode = #tpu.pipeline_mode<synchronous>, transform_indices = @transform_6, window_bounds = array<i64: 4, 16, 128>}, {transform_indices = @transform_7, window_bounds = array<i64: 1, 1072, 128>}]} {
    %get3A = arith.index_cast %arg0 : i32 to index
    %get3A_0 = memref.load %arg1[%get3A] : memref<512xi32, #tpu.memory_space<smem>>
    %lt3A = arith.constant 0 : i32
    %lt3A_1 = arith.cmpi slt, %get3A_0, %lt3A : i32
    %convert_element_type3A = arith.extui %lt3A_1 : i1 to i32
    %cond3A = arith.constant 0 : i32
    %cond3A_2 = arith.cmpi ne, %convert_element_type3A, %cond3A : i32
    scf.if %cond3A_2 {
      %get3A_7 = arith.constant 0 : index
      %get3A_8 = arith.constant 0 : index
      %get3A_9 = arith.constant 0 : index
      %get3A_10 = vector.load %arg2[%get3A_7, %get3A_8, %get3A_9] : memref<1x1072x128xf32, #tpu.memory_space<vmem>>, vector<1x1072x128xf32>
      %get3A_11 = vector.shape_cast %get3A_10 : vector<1x1072x128xf32> to vector<1072x128xf32>
      %swap3A = arith.constant 0 : index
      %swap3A_12 = arith.constant 0 : index
      %swap3A_13 = arith.constant 0 : index
      %swap3A_14 = vector.load %arg9[%swap3A, %swap3A_12, %swap3A_13] : memref<1x1072x128xf32, #tpu.memory_space<vmem>>, vector<1x1072x128xf32>
      %swap3A_15 = vector.shape_cast %swap3A_14 : vector<1x1072x128xf32> to vector<1072x128xf32>
      %swap3A_16 = vector.shape_cast %get3A_11 : vector<1072x128xf32> to vector<1x1072x128xf32>
      tpu.vector_store %arg9[%swap3A, %swap3A_12, %swap3A_13], %swap3A_16 {strides = array<i32>} : memref<1x1072x128xf32, #tpu.memory_space<vmem>>, vector<1x1072x128xf32>,
    } else {
    }
    %ge3A = arith.constant 0 : i32
    %ge3A_3 = arith.cmpi sge, %get3A_0, %ge3A : i32
    %convert_element_type3A_4 = arith.extui %ge3A_3 : i1 to i32
    %cond3A_5 = arith.constant 0 : i32
    %cond3A_6 = arith.cmpi ne, %convert_element_type3A_4, %cond3A_5 : i32
    scf.if %cond3A_6 {
      %get3A_7 = arith.constant 0 : index
      %get3A_8 = arith.constant 0 : index
      %get3A_9 = arith.constant 0 : index
      %get3A_10 = vector.load %arg3[%get3A_7, %get3A_8, %get3A_9] : memref<1x16x128xf32, #tpu.memory_space<vmem>>, vector<1x16x128xf32>
      %get3A_11 = vector.shape_cast %get3A_10 : vector<1x16x128xf32> to vector<16x128xf32>
      %get3A_12 = arith.constant 0 : index
      %get3A_13 = arith.constant 1024 : index
      %get3A_14 = arith.constant 0 : index
      %get3A_15 = vector.load %arg2[%get3A_12, %get3A_13, %get3A_14] : memref<1x1072x128xf32, #tpu.memory_space<vmem>>, vector<1x16x128xf32>
      %get3A_16 = vector.shape_cast %get3A_15 : vector<1x16x128xf32> to vector<16x128xf32>
      %get3A_17 = arith.constant 0 : index
      %get3A_18 = arith.constant 1040 : index
      %get3A_19 = arith.constant 0 : index
      %get3A_20 = vector.load %arg2[%get3A_17, %get3A_18, %get3A_19] : memref<1x1072x128xf32, #tpu.memory_space<vmem>>, vector<1x16x128xf32>
      %get3A_21 = vector.shape_cast %get3A_20 : vector<1x16x128xf32> to vector<16x128xf32>
      %get3A_22 = arith.constant 0 : index
      %get3A_23 = arith.constant 1056 : index
      %get3A_24 = arith.constant 0 : index
      %get3A_25 = vector.load %arg2[%get3A_22, %get3A_23, %get3A_24] : memref<1x1072x128xf32, #tpu.memory_space<vmem>>, vector<1x16x128xf32>
      %get3A_26 = vector.shape_cast %get3A_25 : vector<1x16x128xf32> to vector<16x128xf32>
      %get3A_27 = arith.constant 0 : index
      %get3A_28 = arith.constant 0 : index
      %get3A_29 = arith.constant 0 : index
      %get3A_30 = vector.load %arg8[%get3A_27, %get3A_28, %get3A_29] : memref<4x16x128xf32, #tpu.memory_space<vmem>>, vector<1x16x128xf32>
      %get3A_31 = vector.shape_cast %get3A_30 : vector<1x16x128xf32> to vector<16x128xf32>
      %mul3A = arith.mulf %get3A_16, %get3A_31 : vector<16x128xf32>
      %get3A_32 = arith.constant 1 : index
      %get3A_33 = arith.constant 0 : index
      %get3A_34 = arith.constant 0 : index
      %get3A_35 = vector.load %arg8[%get3A_32, %get3A_33, %get3A_34] : memref<4x16x128xf32, #tpu.memory_space<vmem>>, vector<1x16x128xf32>
      %get3A_36 = vector.shape_cast %get3A_35 : vector<1x16x128xf32> to vector<16x128xf32>
      %mul3A_37 = arith.mulf %get3A_21, %get3A_36 : vector<16x128xf32>
      %add3A = arith.addf %mul3A, %mul3A_37 : vector<16x128xf32>
      %get3A_38 = arith.constant 2 : index
      %get3A_39 = arith.constant 0 : index
      %get3A_40 = arith.constant 0 : index
      %get3A_41 = vector.load %arg8[%get3A_38, %get3A_39, %get3A_40] : memref<4x16x128xf32, #tpu.memory_space<vmem>>, vector<1x16x128xf32>
      %get3A_42 = vector.shape_cast %get3A_41 : vector<1x16x128xf32> to vector<16x128xf32>
      %mul3A_43 = arith.mulf %get3A_26, %get3A_42 : vector<16x128xf32>
      %add3A_44 = arith.addf %add3A, %mul3A_43 : vector<16x128xf32>
      %get3A_45 = arith.constant 3 : index
      %get3A_46 = arith.constant 0 : index
      %get3A_47 = arith.constant 0 : index
      %get3A_48 = vector.load %arg8[%get3A_45, %get3A_46, %get3A_47] : memref<4x16x128xf32, #tpu.memory_space<vmem>>, vector<1x16x128xf32>
      %get3A_49 = vector.shape_cast %get3A_48 : vector<1x16x128xf32> to vector<16x128xf32>
      %mul3A_50 = arith.mulf %get3A_11, %get3A_49 : vector<16x128xf32>
      %add3A_51 = arith.addf %add3A_44, %mul3A_50 : vector<16x128xf32>
      %neg3A = arith.constant 0.000000e+00 : f32
      %neg3A_52 = vector.broadcast %neg3A : f32 to vector<16x128xf32>
      %neg3A_53 = arith.subf %neg3A_52, %add3A_51 : vector<16x128xf32>
      %exp3A = math.exp %neg3A_53 : vector<16x128xf32>
      %add3A_54 = arith.constant 1.000000e+00 : f32
      %add3A_55 = vector.broadcast %add3A_54 : f32 to vector<16x128xf32>
      %add3A_56 = arith.addf %add3A_55, %exp3A : vector<16x128xf32>
      %div3A = arith.constant 1.000000e+00 : f32
      %div3A_57 = vector.broadcast %div3A : f32 to vector<16x128xf32>
      %div3A_58 = arith.divf %div3A_57, %add3A_56 : vector<16x128xf32>
      %mul3A_59 = arith.mulf %add3A_51, %div3A_58 : vector<16x128xf32>
      %get3A_60 = arith.constant 0 : index
      %get3A_61 = arith.constant 0 : index
      %get3A_62 = vector.load %arg7[%get3A_60, %get3A_61] : memref<1x8xf32, #tpu.memory_space<vmem>>, vector<1x8xf32>
      %exp3A_63 = math.exp %get3A_62 : vector<1x8xf32>
      %neg3A_64 = arith.constant 0.000000e+00 : f32
      %neg3A_65 = vector.broadcast %neg3A_64 : f32 to vector<1x8xf32>
      %neg3A_66 = arith.subf %neg3A_65, %exp3A_63 : vector<1x8xf32>
      %get3A_67 = arith.constant 0 : index
      %get3A_68 = arith.constant 0 : index
      %get3A_69 = arith.constant 0 : index
      %get3A_70 = vector.load %arg5[%get3A_67, %get3A_68, %get3A_69] : memref<1x1x8xf32, #tpu.memory_space<vmem>>, vector<1x1x8xf32>
      %get3A_71 = vector.shape_cast %get3A_70 : vector<1x1x8xf32> to vector<1x8xf32>
      %get3A_72 = arith.constant 0 : index
      %get3A_73 = arith.constant 0 : index
      %get3A_74 = vector.load %arg6[%get3A_72, %get3A_73] : memref<1x8xf32, #tpu.memory_space<vmem>>, vector<1x8xf32>
      %add3A_75 = arith.addf %get3A_71, %get3A_74 : vector<1x8xf32>
      %max3A = arith.constant 0.000000e+00 : f32
      %max3A_76 = vector.broadcast %max3A : f32 to vector<1x8xf32>
      %max3A_77 = arith.maximumf %add3A_75, %max3A_76 : vector<1x8xf32>
      %abs3A = math.absf %add3A_75 : vector<1x8xf32>
      %neg3A_78 = arith.constant 0.000000e+00 : f32
      %neg3A_79 = vector.broadcast %neg3A_78 : f32 to vector<1x8xf32>
      %neg3A_80 = arith.subf %neg3A_79, %abs3A : vector<1x8xf32>
      %exp3A_81 = math.exp %neg3A_80 : vector<1x8xf32>
      %add3A_82 = arith.constant 1.000000e+00 : f32
      %add3A_83 = vector.broadcast %add3A_82 : f32 to vector<1x8xf32>
      %add3A_84 = arith.addf %add3A_83, %exp3A_81 : vector<1x8xf32>
      %log3A = math.log %add3A_84 : vector<1x8xf32>
      %add3A_85 = arith.addf %max3A_77, %log3A : vector<1x8xf32>
      %mul3A_86 = arith.mulf %neg3A_66, %add3A_85 : vector<1x8xf32>
      %get3A_87 = arith.constant 0 : index
      %get3A_88 = arith.constant 0 : index
      %get3A_89 = arith.constant 0 : index
      %get3A_90 = vector.load %arg4[%get3A_87, %get3A_88, %get3A_89] : memref<1x1x8xf32, #tpu.memory_space<vmem>>, vector<1x1x8xf32>
      %get3A_91 = vector.shape_cast %get3A_90 : vector<1x1x8xf32> to vector<1x8xf32>
      %neg3A_92 = arith.constant 0.000000e+00 : f32
      %neg3A_93 = vector.broadcast %neg3A_92 : f32 to vector<1x8xf32>
      %neg3A_94 = arith.subf %neg3A_93, %get3A_91 : vector<1x8xf32>
      %exp3A_95 = math.exp %neg3A_94 : vector<1x8xf32>
      %add3A_96 = arith.constant 1.000000e+00 : f32
      %add3A_97 = vector.broadcast %add3A_96 : f32 to vector<1x8xf32>
      %add3A_98 = arith.addf %add3A_97, %exp3A_95 : vector<1x8xf32>
      %div3A_99 = arith.constant 1.000000e+00 : f32
      %div3A_100 = vector.broadcast %div3A_99 : f32 to vector<1x8xf32>
      %div3A_101 = arith.divf %div3A_100, %add3A_98 : vector<1x8xf32>
      %slice3A = vector.extract_strided_slice %mul3A_59 {offsets = [8, 0], sizes = [8, 128], strides = [1, 1]} : vector<16x128xf32> to vector<8x128xf32>
      %transpose3A = tpu.transpose %slice3A, [1, 0] : vector<8x128xf32> -> vector<128x8xf32>
      %slice3A_102 = vector.extract_strided_slice %mul3A_59 {offsets = [4, 0], sizes = [1, 128], strides = [1, 1]} : vector<16x128xf32> to vector<1x128xf32>
      %mul3A_103 = arith.mulf %slice3A_102, %slice3A_102 : vector<1x128xf32>
      %reduce_sum3A = vector.shape_cast %mul3A_103 : vector<1x128xf32> to vector<1x1x128xf32>
      %reduce_sum3A_104 = arith.constant dense<0.000000e+00> : vector<1xf32>
      %reduce_sum3A_105 = vector.multi_reduction <add>, %reduce_sum3A, %reduce_sum3A_104 [1, 2] : vector<1x1x128xf32> to vector<1xf32>
      %reduce_sum3A_106 = vector.shape_cast %reduce_sum3A_105 : vector<1xf32> to vector<1x1x1xf32>
      %reduce_sum3A_107 = vector.extract %reduce_sum3A_106[0, 0, 0] : f32 from vector<1x1x1xf32>
      %add3A_108 = arith.constant 9.99999997E-7 : f32
      %add3A_109 = arith.addf %reduce_sum3A_107, %add3A_108 : f32
      %rsqrt3A = math.rsqrt %add3A_109 : f32
      %mul3A_110 = vector.broadcast %rsqrt3A : f32 to vector<1x128xf32>
      %mul3A_111 = arith.mulf %slice3A_102, %mul3A_110 : vector<1x128xf32>
      %get3A_112 = arith.constant 0 : index
      %get3A_113 = arith.constant 0 : index
      %get3A_114 = arith.constant 0 : index
      %get3A_115 = vector.load %arg2[%get3A_112, %get3A_113, %get3A_114] : memref<1x1072x128xf32, #tpu.memory_space<vmem>>, vector<1x128x128xf32>
      %get3A_116 = vector.shape_cast %get3A_115 : vector<1x128x128xf32> to vector<128x128xf32>
      %slice3A_117 = vector.extract_strided_slice %mul3A_86 {offsets = [0, 0], sizes = [1, 1], strides = [1, 1]} : vector<1x8xf32> to vector<1x1xf32>
      %squeeze3A = vector.extract %slice3A_117[0, 0] : f32 from vector<1x1xf32>
      %exp3A_118 = math.exp %squeeze3A : f32
      %mul3A_119 = vector.broadcast %exp3A_118 : f32 to vector<128x128xf32>
      %mul3A_120 = arith.mulf %get3A_116, %mul3A_119 : vector<128x128xf32>
      %mul3A_121 = vector.broadcast %mul3A_111 : vector<1x128xf32> to vector<128x128xf32>
      %mul3A_122 = arith.mulf %mul3A_120, %mul3A_121 : vector<128x128xf32>
      %reduce_sum3A_123 = arith.constant dense<0.000000e+00> : vector<128xf32>
      %reduce_sum3A_124 = vector.multi_reduction <add>, %mul3A_122, %reduce_sum3A_123 [1] : vector<128x128xf32> to vector<128xf32>
      %broadcast_in_dim3A = vector.shape_cast %reduce_sum3A_124 : vector<128xf32> to vector<128x1xf32>
      %slice3A_125 = vector.extract_strided_slice %transpose3A {offsets = [0, 0], sizes = [128, 1], strides = [1, 1]} : vector<128x8xf32> to vector<128x1xf32>
      %sub3A = arith.subf %slice3A_125, %broadcast_in_dim3A : vector<128x1xf32>
      %slice3A_126 = vector.extract_strided_slice %div3A_101 {offsets = [0, 0], sizes = [1, 1], strides = [1, 1]} : vector<1x8xf32> to vector<1x1xf32>
      %squeeze3A_127 = vector.extract %slice3A_126[0, 0] : f32 from vector<1x1xf32>
      %mul3A_128 = vector.broadcast %squeeze3A_127 : f32 to vector<128x1xf32>
      %mul3A_129 = arith.mulf %sub3A, %mul3A_128 : vector<128x1xf32>
      %mul3A_130 = vector.broadcast %mul3A_129 : vector<128x1xf32> to vector<128x128xf32>
      %mul3A_131 = vector.broadcast %mul3A_111 : vector<1x128xf32> to vector<128x128xf32>
      %mul3A_132 = arith.mulf %mul3A_130, %mul3A_131 : vector<128x128xf32>
      %add3A_133 = arith.addf %mul3A_120, %mul3A_132 : vector<128x128xf32>
      %swap3A = arith.constant 0 : index
      %swap3A_134 = arith.constant 0 : index
      %swap3A_135 = arith.constant 0 : index
      %swap3A_136 = vector.load %arg9[%swap3A, %swap3A_134, %swap3A_135] : memref<1x1072x128xf32, #tpu.memory_space<vmem>>, vector<1x128x128xf32>
      %swap3A_137 = vector.shape_cast %swap3A_136 : vector<1x128x128xf32> to vector<128x128xf32>
      %swap3A_138 = vector.shape_cast %add3A_133 : vector<128x128xf32> to vector<1x128x128xf32>
      tpu.vector_store %arg9[%swap3A, %swap3A_134, %swap3A_135], %swap3A_138 {strides = array<i32>} : memref<1x1072x128xf32, #tpu.memory_space<vmem>>, vector<1x128x128xf32>,
      %slice3A_139 = vector.extract_strided_slice %mul3A_59 {offsets = [4, 0], sizes = [1, 128], strides = [1, 1]} : vector<16x128xf32> to vector<1x128xf32>
      %mul3A_140 = arith.mulf %slice3A_139, %slice3A_139 : vector<1x128xf32>
      %reduce_sum3A_141 = vector.shape_cast %mul3A_140 : vector<1x128xf32> to vector<1x1x128xf32>
      %reduce_sum3A_142 = arith.constant dense<0.000000e+00> : vector<1xf32>
      %reduce_sum3A_143 = vector.multi_reduction <add>, %reduce_sum3A_141, %reduce_sum3A_142 [1, 2] : vector<1x1x128xf32> to vector<1xf32>
      %reduce_sum3A_144 = vector.shape_cast %reduce_sum3A_143 : vector<1xf32> to vector<1x1x1xf32>
      %reduce_sum3A_145 = vector.extract %reduce_sum3A_144[0, 0, 0] : f32 from vector<1x1x1xf32>
      %add3A_146 = arith.constant 9.99999997E-7 : f32
      %add3A_147 = arith.addf %reduce_sum3A_145, %add3A_146 : f32
      %rsqrt3A_148 = math.rsqrt %add3A_147 : f32
      %mul3A_149 = vector.broadcast %rsqrt3A_148 : f32 to vector<1x128xf32>
      %mul3A_150 = arith.mulf %slice3A_139, %mul3A_149 : vector<1x128xf32>
      %get3A_151 = arith.constant 0 : index
      %get3A_152 = arith.constant 128 : index
      %get3A_153 = arith.constant 0 : index
      %get3A_154 = vector.load %arg2[%get3A_151, %get3A_152, %get3A_153] : memref<1x1072x128xf32, #tpu.memory_space<vmem>>, vector<1x128x128xf32>
      %get3A_155 = vector.shape_cast %get3A_154 : vector<1x128x128xf32> to vector<128x128xf32>
      %slice3A_156 = vector.extract_strided_slice %mul3A_86 {offsets = [0, 1], sizes = [1, 1], strides = [1, 1]} : vector<1x8xf32> to vector<1x1xf32>
      %squeeze3A_157 = vector.extract %slice3A_156[0, 0] : f32 from vector<1x1xf32>
      %exp3A_158 = math.exp %squeeze3A_157 : f32
      %mul3A_159 = vector.broadcast %exp3A_158 : f32 to vector<128x128xf32>
      %mul3A_160 = arith.mulf %get3A_155, %mul3A_159 : vector<128x128xf32>
      %mul3A_161 = vector.broadcast %mul3A_150 : vector<1x128xf32> to vector<128x128xf32>
      %mul3A_162 = arith.mulf %mul3A_160, %mul3A_161 : vector<128x128xf32>
      %reduce_sum3A_163 = arith.constant dense<0.000000e+00> : vector<128xf32>
      %reduce_sum3A_164 = vector.multi_reduction <add>, %mul3A_162, %reduce_sum3A_163 [1] : vector<128x128xf32> to vector<128xf32>
      %broadcast_in_dim3A_165 = vector.shape_cast %reduce_sum3A_164 : vector<128xf32> to vector<128x1xf32>
      %slice3A_166 = vector.extract_strided_slice %transpose3A {offsets = [0, 1], sizes = [128, 1], strides = [1, 1]} : vector<128x8xf32> to vector<128x1xf32>
      %sub3A_167 = arith.subf %slice3A_166, %broadcast_in_dim3A_165 : vector<128x1xf32>
      %slice3A_168 = vector.extract_strided_slice %div3A_101 {offsets = [0, 1], sizes = [1, 1], strides = [1, 1]} : vector<1x8xf32> to vector<1x1xf32>
      %squeeze3A_169 = vector.extract %slice3A_168[0, 0] : f32 from vector<1x1xf32>
      %mul3A_170 = vector.broadcast %squeeze3A_169 : f32 to vector<128x1xf32>
      %mul3A_171 = arith.mulf %sub3A_167, %mul3A_170 : vector<128x1xf32>
      %mul3A_172 = vector.broadcast %mul3A_171 : vector<128x1xf32> to vector<128x128xf32>
      %mul3A_173 = vector.broadcast %mul3A_150 : vector<1x128xf32> to vector<128x128xf32>
      %mul3A_174 = arith.mulf %mul3A_172, %mul3A_173 : vector<128x128xf32>
      %add3A_175 = arith.addf %mul3A_160, %mul3A_174 : vector<128x128xf32>
      %swap3A_176 = arith.constant 0 : index
      %swap3A_177 = arith.constant 128 : index
      %swap3A_178 = arith.constant 0 : index
      %swap3A_179 = vector.load %arg9[%swap3A_176, %swap3A_177, %swap3A_178] : memref<1x1072x128xf32, #tpu.memory_space<vmem>>, vector<1x128x128xf32>
      %swap3A_180 = vector.shape_cast %swap3A_179 : vector<1x128x128xf32> to vector<128x128xf32>
      %swap3A_181 = vector.shape_cast %add3A_175 : vector<128x128xf32> to vector<1x128x128xf32>
      tpu.vector_store %arg9[%swap3A_176, %swap3A_177, %swap3A_178], %swap3A_181 {strides = array<i32>} : memref<1x1072x128xf32, #tpu.memory_space<vmem>>, vector<1x128x128xf32>,
      %slice3A_182 = vector.extract_strided_slice %mul3A_59 {offsets = [5, 0], sizes = [1, 128], strides = [1, 1]} : vector<16x128xf32> to vector<1x128xf32>
      %mul3A_183 = arith.mulf %slice3A_182, %slice3A_182 : vector<1x128xf32>
      %reduce_sum3A_184 = vector.shape_cast %mul3A_183 : vector<1x128xf32> to vector<1x1x128xf32>
      %reduce_sum3A_185 = arith.constant dense<0.000000e+00> : vector<1xf32>
      %reduce_sum3A_186 = vector.multi_reduction <add>, %reduce_sum3A_184, %reduce_sum3A_185 [1, 2] : vector<1x1x128xf32> to vector<1xf32>
      %reduce_sum3A_187 = vector.shape_cast %reduce_sum3A_186 : vector<1xf32> to vector<1x1x1xf32>
      %reduce_sum3A_188 = vector.extract %reduce_sum3A_187[0, 0, 0] : f32 from vector<1x1x1xf32>
      %add3A_189 = arith.constant 9.99999997E-7 : f32
      %add3A_190 = arith.addf %reduce_sum3A_188, %add3A_189 : f32
      %rsqrt3A_191 = math.rsqrt %add3A_190 : f32
      %mul3A_192 = vector.broadcast %rsqrt3A_191 : f32 to vector<1x128xf32>
      %mul3A_193 = arith.mulf %slice3A_182, %mul3A_192 : vector<1x128xf32>
      %get3A_194 = arith.constant 0 : index
      %get3A_195 = arith.constant 256 : index
      %get3A_196 = arith.constant 0 : index
      %get3A_197 = vector.load %arg2[%get3A_194, %get3A_195, %get3A_196] : memref<1x1072x128xf32, #tpu.memory_space<vmem>>, vector<1x128x128xf32>
      %get3A_198 = vector.shape_cast %get3A_197 : vector<1x128x128xf32> to vector<128x128xf32>
      %slice3A_199 = vector.extract_strided_slice %mul3A_86 {offsets = [0, 2], sizes = [1, 1], strides = [1, 1]} : vector<1x8xf32> to vector<1x1xf32>
      %squeeze3A_200 = vector.extract %slice3A_199[0, 0] : f32 from vector<1x1xf32>
      %exp3A_201 = math.exp %squeeze3A_200 : f32
      %mul3A_202 = vector.broadcast %exp3A_201 : f32 to vector<128x128xf32>
      %mul3A_203 = arith.mulf %get3A_198, %mul3A_202 : vector<128x128xf32>
      %mul3A_204 = vector.broadcast %mul3A_193 : vector<1x128xf32> to vector<128x128xf32>
      %mul3A_205 = arith.mulf %mul3A_203, %mul3A_204 : vector<128x128xf32>
      %reduce_sum3A_206 = arith.constant dense<0.000000e+00> : vector<128xf32>
      %reduce_sum3A_207 = vector.multi_reduction <add>, %mul3A_205, %reduce_sum3A_206 [1] : vector<128x128xf32> to vector<128xf32>
      %broadcast_in_dim3A_208 = vector.shape_cast %reduce_sum3A_207 : vector<128xf32> to vector<128x1xf32>
      %slice3A_209 = vector.extract_strided_slice %transpose3A {offsets = [0, 2], sizes = [128, 1], strides = [1, 1]} : vector<128x8xf32> to vector<128x1xf32>
      %sub3A_210 = arith.subf %slice3A_209, %broadcast_in_dim3A_208 : vector<128x1xf32>
      %slice3A_211 = vector.extract_strided_slice %div3A_101 {offsets = [0, 2], sizes = [1, 1], strides = [1, 1]} : vector<1x8xf32> to vector<1x1xf32>
      %squeeze3A_212 = vector.extract %slice3A_211[0, 0] : f32 from vector<1x1xf32>
      %mul3A_213 = vector.broadcast %squeeze3A_212 : f32 to vector<128x1xf32>
      %mul3A_214 = arith.mulf %sub3A_210, %mul3A_213 : vector<128x1xf32>
      %mul3A_215 = vector.broadcast %mul3A_214 : vector<128x1xf32> to vector<128x128xf32>
      %mul3A_216 = vector.broadcast %mul3A_193 : vector<1x128xf32> to vector<128x128xf32>
      %mul3A_217 = arith.mulf %mul3A_215, %mul3A_216 : vector<128x128xf32>
      %add3A_218 = arith.addf %mul3A_203, %mul3A_217 : vector<128x128xf32>
      %swap3A_219 = arith.constant 0 : index
      %swap3A_220 = arith.constant 256 : index
      %swap3A_221 = arith.constant 0 : index
      %swap3A_222 = vector.load %arg9[%swap3A_219, %swap3A_220, %swap3A_221] : memref<1x1072x128xf32, #tpu.memory_space<vmem>>, vector<1x128x128xf32>
      %swap3A_223 = vector.shape_cast %swap3A_222 : vector<1x128x128xf32> to vector<128x128xf32>
      %swap3A_224 = vector.shape_cast %add3A_218 : vector<128x128xf32> to vector<1x128x128xf32>
      tpu.vector_store %arg9[%swap3A_219, %swap3A_220, %swap3A_221], %swap3A_224 {strides = array<i32>} : memref<1x1072x128xf32, #tpu.memory_space<vmem>>, vector<1x128x128xf32>,
      %slice3A_225 = vector.extract_strided_slice %mul3A_59 {offsets = [5, 0], sizes = [1, 128], strides = [1, 1]} : vector<16x128xf32> to vector<1x128xf32>
      %mul3A_226 = arith.mulf %slice3A_225, %slice3A_225 : vector<1x128xf32>
      %reduce_sum3A_227 = vector.shape_cast %mul3A_226 : vector<1x128xf32> to vector<1x1x128xf32>
      %reduce_sum3A_228 = arith.constant dense<0.000000e+00> : vector<1xf32>
      %reduce_sum3A_229 = vector.multi_reduction <add>, %reduce_sum3A_227, %reduce_sum3A_228 [1, 2] : vector<1x1x128xf32> to vector<1xf32>
      %reduce_sum3A_230 = vector.shape_cast %reduce_sum3A_229 : vector<1xf32> to vector<1x1x1xf32>
      %reduce_sum3A_231 = vector.extract %reduce_sum3A_230[0, 0, 0] : f32 from vector<1x1x1xf32>
      %add3A_232 = arith.constant 9.99999997E-7 : f32
      %add3A_233 = arith.addf %reduce_sum3A_231, %add3A_232 : f32
      %rsqrt3A_234 = math.rsqrt %add3A_233 : f32
      %mul3A_235 = vector.broadcast %rsqrt3A_234 : f32 to vector<1x128xf32>
      %mul3A_236 = arith.mulf %slice3A_225, %mul3A_235 : vector<1x128xf32>
      %get3A_237 = arith.constant 0 : index
      %get3A_238 = arith.constant 384 : index
      %get3A_239 = arith.constant 0 : index
      %get3A_240 = vector.load %arg2[%get3A_237, %get3A_238, %get3A_239] : memref<1x1072x128xf32, #tpu.memory_space<vmem>>, vector<1x128x128xf32>
      %get3A_241 = vector.shape_cast %get3A_240 : vector<1x128x128xf32> to vector<128x128xf32>
      %slice3A_242 = vector.extract_strided_slice %mul3A_86 {offsets = [0, 3], sizes = [1, 1], strides = [1, 1]} : vector<1x8xf32> to vector<1x1xf32>
      %squeeze3A_243 = vector.extract %slice3A_242[0, 0] : f32 from vector<1x1xf32>
      %exp3A_244 = math.exp %squeeze3A_243 : f32
      %mul3A_245 = vector.broadcast %exp3A_244 : f32 to vector<128x128xf32>
      %mul3A_246 = arith.mulf %get3A_241, %mul3A_245 : vector<128x128xf32>
      %mul3A_247 = vector.broadcast %mul3A_236 : vector<1x128xf32> to vector<128x128xf32>
      %mul3A_248 = arith.mulf %mul3A_246, %mul3A_247 : vector<128x128xf32>
      %reduce_sum3A_249 = arith.constant dense<0.000000e+00> : vector<128xf32>
      %reduce_sum3A_250 = vector.multi_reduction <add>, %mul3A_248, %reduce_sum3A_249 [1] : vector<128x128xf32> to vector<128xf32>
      %broadcast_in_dim3A_251 = vector.shape_cast %reduce_sum3A_250 : vector<128xf32> to vector<128x1xf32>
      %slice3A_252 = vector.extract_strided_slice %transpose3A {offsets = [0, 3], sizes = [128, 1], strides = [1, 1]} : vector<128x8xf32> to vector<128x1xf32>
      %sub3A_253 = arith.subf %slice3A_252, %broadcast_in_dim3A_251 : vector<128x1xf32>
      %slice3A_254 = vector.extract_strided_slice %div3A_101 {offsets = [0, 3], sizes = [1, 1], strides = [1, 1]} : vector<1x8xf32> to vector<1x1xf32>
      %squeeze3A_255 = vector.extract %slice3A_254[0, 0] : f32 from vector<1x1xf32>
      %mul3A_256 = vector.broadcast %squeeze3A_255 : f32 to vector<128x1xf32>
      %mul3A_257 = arith.mulf %sub3A_253, %mul3A_256 : vector<128x1xf32>
      %mul3A_258 = vector.broadcast %mul3A_257 : vector<128x1xf32> to vector<128x128xf32>
      %mul3A_259 = vector.broadcast %mul3A_236 : vector<1x128xf32> to vector<128x128xf32>
      %mul3A_260 = arith.mulf %mul3A_258, %mul3A_259 : vector<128x128xf32>
      %add3A_261 = arith.addf %mul3A_246, %mul3A_260 : vector<128x128xf32>
      %swap3A_262 = arith.constant 0 : index
      %swap3A_263 = arith.constant 384 : index
      %swap3A_264 = arith.constant 0 : index
      %swap3A_265 = vector.load %arg9[%swap3A_262, %swap3A_263, %swap3A_264] : memref<1x1072x128xf32, #tpu.memory_space<vmem>>, vector<1x128x128xf32>
      %swap3A_266 = vector.shape_cast %swap3A_265 : vector<1x128x128xf32> to vector<128x128xf32>
      %swap3A_267 = vector.shape_cast %add3A_261 : vector<128x128xf32> to vector<1x128x128xf32>
      tpu.vector_store %arg9[%swap3A_262, %swap3A_263, %swap3A_264], %swap3A_267 {strides = array<i32>} : memref<1x1072x128xf32, #tpu.memory_space<vmem>>, vector<1x128x128xf32>,
      %slice3A_268 = vector.extract_strided_slice %mul3A_59 {offsets = [6, 0], sizes = [1, 128], strides = [1, 1]} : vector<16x128xf32> to vector<1x128xf32>
      %mul3A_269 = arith.mulf %slice3A_268, %slice3A_268 : vector<1x128xf32>
      %reduce_sum3A_270 = vector.shape_cast %mul3A_269 : vector<1x128xf32> to vector<1x1x128xf32>
      %reduce_sum3A_271 = arith.constant dense<0.000000e+00> : vector<1xf32>
      %reduce_sum3A_272 = vector.multi_reduction <add>, %reduce_sum3A_270, %reduce_sum3A_271 [1, 2] : vector<1x1x128xf32> to vector<1xf32>
      %reduce_sum3A_273 = vector.shape_cast %reduce_sum3A_272 : vector<1xf32> to vector<1x1x1xf32>
      %reduce_sum3A_274 = vector.extract %reduce_sum3A_273[0, 0, 0] : f32 from vector<1x1x1xf32>
      %add3A_275 = arith.constant 9.99999997E-7 : f32
      %add3A_276 = arith.addf %reduce_sum3A_274, %add3A_275 : f32
      %rsqrt3A_277 = math.rsqrt %add3A_276 : f32
      %mul3A_278 = vector.broadcast %rsqrt3A_277 : f32 to vector<1x128xf32>
      %mul3A_279 = arith.mulf %slice3A_268, %mul3A_278 : vector<1x128xf32>
      %get3A_280 = arith.constant 0 : index
      %get3A_281 = arith.constant 512 : index
      %get3A_282 = arith.constant 0 : index
      %get3A_283 = vector.load %arg2[%get3A_280, %get3A_281, %get3A_282] : memref<1x1072x128xf32, #tpu.memory_space<vmem>>, vector<1x128x128xf32>
      %get3A_284 = vector.shape_cast %get3A_283 : vector<1x128x128xf32> to vector<128x128xf32>
      %slice3A_285 = vector.extract_strided_slice %mul3A_86 {offsets = [0, 4], sizes = [1, 1], strides = [1, 1]} : vector<1x8xf32> to vector<1x1xf32>
      %squeeze3A_286 = vector.extract %slice3A_285[0, 0] : f32 from vector<1x1xf32>
      %exp3A_287 = math.exp %squeeze3A_286 : f32
      %mul3A_288 = vector.broadcast %exp3A_287 : f32 to vector<128x128xf32>
      %mul3A_289 = arith.mulf %get3A_284, %mul3A_288 : vector<128x128xf32>
      %mul3A_290 = vector.broadcast %mul3A_279 : vector<1x128xf32> to vector<128x128xf32>
      %mul3A_291 = arith.mulf %mul3A_289, %mul3A_290 : vector<128x128xf32>
      %reduce_sum3A_292 = arith.constant dense<0.000000e+00> : vector<128xf32>
      %reduce_sum3A_293 = vector.multi_reduction <add>, %mul3A_291, %reduce_sum3A_292 [1] : vector<128x128xf32> to vector<128xf32>
      %broadcast_in_dim3A_294 = vector.shape_cast %reduce_sum3A_293 : vector<128xf32> to vector<128x1xf32>
      %slice3A_295 = vector.extract_strided_slice %transpose3A {offsets = [0, 4], sizes = [128, 1], strides = [1, 1]} : vector<128x8xf32> to vector<128x1xf32>
      %sub3A_296 = arith.subf %slice3A_295, %broadcast_in_dim3A_294 : vector<128x1xf32>
      %slice3A_297 = vector.extract_strided_slice %div3A_101 {offsets = [0, 4], sizes = [1, 1], strides = [1, 1]} : vector<1x8xf32> to vector<1x1xf32>
      %squeeze3A_298 = vector.extract %slice3A_297[0, 0] : f32 from vector<1x1xf32>
      %mul3A_299 = vector.broadcast %squeeze3A_298 : f32 to vector<128x1xf32>
      %mul3A_300 = arith.mulf %sub3A_296, %mul3A_299 : vector<128x1xf32>
      %mul3A_301 = vector.broadcast %mul3A_300 : vector<128x1xf32> to vector<128x128xf32>
      %mul3A_302 = vector.broadcast %mul3A_279 : vector<1x128xf32> to vector<128x128xf32>
      %mul3A_303 = arith.mulf %mul3A_301, %mul3A_302 : vector<128x128xf32>
      %add3A_304 = arith.addf %mul3A_289, %mul3A_303 : vector<128x128xf32>
      %swap3A_305 = arith.constant 0 : index
      %swap3A_306 = arith.constant 512 : index
      %swap3A_307 = arith.constant 0 : index
      %swap3A_308 = vector.load %arg9[%swap3A_305, %swap3A_306, %swap3A_307] : memref<1x1072x128xf32, #tpu.memory_space<vmem>>, vector<1x128x128xf32>
      %swap3A_309 = vector.shape_cast %swap3A_308 : vector<1x128x128xf32> to vector<128x128xf32>
      %swap3A_310 = vector.shape_cast %add3A_304 : vector<128x128xf32> to vector<1x128x128xf32>
      tpu.vector_store %arg9[%swap3A_305, %swap3A_306, %swap3A_307], %swap3A_310 {strides = array<i32>} : memref<1x1072x128xf32, #tpu.memory_space<vmem>>, vector<1x128x128xf32>,
      %slice3A_311 = vector.extract_strided_slice %mul3A_59 {offsets = [6, 0], sizes = [1, 128], strides = [1, 1]} : vector<16x128xf32> to vector<1x128xf32>
      %mul3A_312 = arith.mulf %slice3A_311, %slice3A_311 : vector<1x128xf32>
      %reduce_sum3A_313 = vector.shape_cast %mul3A_312 : vector<1x128xf32> to vector<1x1x128xf32>
      %reduce_sum3A_314 = arith.constant dense<0.000000e+00> : vector<1xf32>
      %reduce_sum3A_315 = vector.multi_reduction <add>, %reduce_sum3A_313, %reduce_sum3A_314 [1, 2] : vector<1x1x128xf32> to vector<1xf32>
      %reduce_sum3A_316 = vector.shape_cast %reduce_sum3A_315 : vector<1xf32> to vector<1x1x1xf32>
      %reduce_sum3A_317 = vector.extract %reduce_sum3A_316[0, 0, 0] : f32 from vector<1x1x1xf32>
      %add3A_318 = arith.constant 9.99999997E-7 : f32
      %add3A_319 = arith.addf %reduce_sum3A_317, %add3A_318 : f32
      %rsqrt3A_320 = math.rsqrt %add3A_319 : f32
      %mul3A_321 = vector.broadcast %rsqrt3A_320 : f32 to vector<1x128xf32>
      %mul3A_322 = arith.mulf %slice3A_311, %mul3A_321 : vector<1x128xf32>
      %get3A_323 = arith.constant 0 : index
      %get3A_324 = arith.constant 640 : index
      %get3A_325 = arith.constant 0 : index
      %get3A_326 = vector.load %arg2[%get3A_323, %get3A_324, %get3A_325] : memref<1x1072x128xf32, #tpu.memory_space<vmem>>, vector<1x128x128xf32>
      %get3A_327 = vector.shape_cast %get3A_326 : vector<1x128x128xf32> to vector<128x128xf32>
      %slice3A_328 = vector.extract_strided_slice %mul3A_86 {offsets = [0, 5], sizes = [1, 1], strides = [1, 1]} : vector<1x8xf32> to vector<1x1xf32>
      %squeeze3A_329 = vector.extract %slice3A_328[0, 0] : f32 from vector<1x1xf32>
      %exp3A_330 = math.exp %squeeze3A_329 : f32
      %mul3A_331 = vector.broadcast %exp3A_330 : f32 to vector<128x128xf32>
      %mul3A_332 = arith.mulf %get3A_327, %mul3A_331 : vector<128x128xf32>
      %mul3A_333 = vector.broadcast %mul3A_322 : vector<1x128xf32> to vector<128x128xf32>
      %mul3A_334 = arith.mulf %mul3A_332, %mul3A_333 : vector<128x128xf32>
      %reduce_sum3A_335 = arith.constant dense<0.000000e+00> : vector<128xf32>
      %reduce_sum3A_336 = vector.multi_reduction <add>, %mul3A_334, %reduce_sum3A_335 [1] : vector<128x128xf32> to vector<128xf32>
      %broadcast_in_dim3A_337 = vector.shape_cast %reduce_sum3A_336 : vector<128xf32> to vector<128x1xf32>
      %slice3A_338 = vector.extract_strided_slice %transpose3A {offsets = [0, 5], sizes = [128, 1], strides = [1, 1]} : vector<128x8xf32> to vector<128x1xf32>
      %sub3A_339 = arith.subf %slice3A_338, %broadcast_in_dim3A_337 : vector<128x1xf32>
      %slice3A_340 = vector.extract_strided_slice %div3A_101 {offsets = [0, 5], sizes = [1, 1], strides = [1, 1]} : vector<1x8xf32> to vector<1x1xf32>
      %squeeze3A_341 = vector.extract %slice3A_340[0, 0] : f32 from vector<1x1xf32>
      %mul3A_342 = vector.broadcast %squeeze3A_341 : f32 to vector<128x1xf32>
      %mul3A_343 = arith.mulf %sub3A_339, %mul3A_342 : vector<128x1xf32>
      %mul3A_344 = vector.broadcast %mul3A_343 : vector<128x1xf32> to vector<128x128xf32>
      %mul3A_345 = vector.broadcast %mul3A_322 : vector<1x128xf32> to vector<128x128xf32>
      %mul3A_346 = arith.mulf %mul3A_344, %mul3A_345 : vector<128x128xf32>
      %add3A_347 = arith.addf %mul3A_332, %mul3A_346 : vector<128x128xf32>
      %swap3A_348 = arith.constant 0 : index
      %swap3A_349 = arith.constant 640 : index
      %swap3A_350 = arith.constant 0 : index
      %swap3A_351 = vector.load %arg9[%swap3A_348, %swap3A_349, %swap3A_350] : memref<1x1072x128xf32, #tpu.memory_space<vmem>>, vector<1x128x128xf32>
      %swap3A_352 = vector.shape_cast %swap3A_351 : vector<1x128x128xf32> to vector<128x128xf32>
      %swap3A_353 = vector.shape_cast %add3A_347 : vector<128x128xf32> to vector<1x128x128xf32>
      tpu.vector_store %arg9[%swap3A_348, %swap3A_349, %swap3A_350], %swap3A_353 {strides = array<i32>} : memref<1x1072x128xf32, #tpu.memory_space<vmem>>, vector<1x128x128xf32>,
      %slice3A_354 = vector.extract_strided_slice %mul3A_59 {offsets = [7, 0], sizes = [1, 128], strides = [1, 1]} : vector<16x128xf32> to vector<1x128xf32>
      %mul3A_355 = arith.mulf %slice3A_354, %slice3A_354 : vector<1x128xf32>
      %reduce_sum3A_356 = vector.shape_cast %mul3A_355 : vector<1x128xf32> to vector<1x1x128xf32>
      %reduce_sum3A_357 = arith.constant dense<0.000000e+00> : vector<1xf32>
      %reduce_sum3A_358 = vector.multi_reduction <add>, %reduce_sum3A_356, %reduce_sum3A_357 [1, 2] : vector<1x1x128xf32> to vector<1xf32>
      %reduce_sum3A_359 = vector.shape_cast %reduce_sum3A_358 : vector<1xf32> to vector<1x1x1xf32>
      %reduce_sum3A_360 = vector.extract %reduce_sum3A_359[0, 0, 0] : f32 from vector<1x1x1xf32>
      %add3A_361 = arith.constant 9.99999997E-7 : f32
      %add3A_362 = arith.addf %reduce_sum3A_360, %add3A_361 : f32
      %rsqrt3A_363 = math.rsqrt %add3A_362 : f32
      %mul3A_364 = vector.broadcast %rsqrt3A_363 : f32 to vector<1x128xf32>
      %mul3A_365 = arith.mulf %slice3A_354, %mul3A_364 : vector<1x128xf32>
      %get3A_366 = arith.constant 0 : index
      %get3A_367 = arith.constant 768 : index
      %get3A_368 = arith.constant 0 : index
      %get3A_369 = vector.load %arg2[%get3A_366, %get3A_367, %get3A_368] : memref<1x1072x128xf32, #tpu.memory_space<vmem>>, vector<1x128x128xf32>
      %get3A_370 = vector.shape_cast %get3A_369 : vector<1x128x128xf32> to vector<128x128xf32>
      %slice3A_371 = vector.extract_strided_slice %mul3A_86 {offsets = [0, 6], sizes = [1, 1], strides = [1, 1]} : vector<1x8xf32> to vector<1x1xf32>
      %squeeze3A_372 = vector.extract %slice3A_371[0, 0] : f32 from vector<1x1xf32>
      %exp3A_373 = math.exp %squeeze3A_372 : f32
      %mul3A_374 = vector.broadcast %exp3A_373 : f32 to vector<128x128xf32>
      %mul3A_375 = arith.mulf %get3A_370, %mul3A_374 : vector<128x128xf32>
      %mul3A_376 = vector.broadcast %mul3A_365 : vector<1x128xf32> to vector<128x128xf32>
      %mul3A_377 = arith.mulf %mul3A_375, %mul3A_376 : vector<128x128xf32>
      %reduce_sum3A_378 = arith.constant dense<0.000000e+00> : vector<128xf32>
      %reduce_sum3A_379 = vector.multi_reduction <add>, %mul3A_377, %reduce_sum3A_378 [1] : vector<128x128xf32> to vector<128xf32>
      %broadcast_in_dim3A_380 = vector.shape_cast %reduce_sum3A_379 : vector<128xf32> to vector<128x1xf32>
      %slice3A_381 = vector.extract_strided_slice %transpose3A {offsets = [0, 6], sizes = [128, 1], strides = [1, 1]} : vector<128x8xf32> to vector<128x1xf32>
      %sub3A_382 = arith.subf %slice3A_381, %broadcast_in_dim3A_380 : vector<128x1xf32>
      %slice3A_383 = vector.extract_strided_slice %div3A_101 {offsets = [0, 6], sizes = [1, 1], strides = [1, 1]} : vector<1x8xf32> to vector<1x1xf32>
      %squeeze3A_384 = vector.extract %slice3A_383[0, 0] : f32 from vector<1x1xf32>
      %mul3A_385 = vector.broadcast %squeeze3A_384 : f32 to vector<128x1xf32>
      %mul3A_386 = arith.mulf %sub3A_382, %mul3A_385 : vector<128x1xf32>
      %mul3A_387 = vector.broadcast %mul3A_386 : vector<128x1xf32> to vector<128x128xf32>
      %mul3A_388 = vector.broadcast %mul3A_365 : vector<1x128xf32> to vector<128x128xf32>
      %mul3A_389 = arith.mulf %mul3A_387, %mul3A_388 : vector<128x128xf32>
      %add3A_390 = arith.addf %mul3A_375, %mul3A_389 : vector<128x128xf32>
      %swap3A_391 = arith.constant 0 : index
      %swap3A_392 = arith.constant 768 : index
      %swap3A_393 = arith.constant 0 : index
      %swap3A_394 = vector.load %arg9[%swap3A_391, %swap3A_392, %swap3A_393] : memref<1x1072x128xf32, #tpu.memory_space<vmem>>, vector<1x128x128xf32>
      %swap3A_395 = vector.shape_cast %swap3A_394 : vector<1x128x128xf32> to vector<128x128xf32>
      %swap3A_396 = vector.shape_cast %add3A_390 : vector<128x128xf32> to vector<1x128x128xf32>
      tpu.vector_store %arg9[%swap3A_391, %swap3A_392, %swap3A_393], %swap3A_396 {strides = array<i32>} : memref<1x1072x128xf32, #tpu.memory_space<vmem>>, vector<1x128x128xf32>,
      %slice3A_397 = vector.extract_strided_slice %mul3A_59 {offsets = [7, 0], sizes = [1, 128], strides = [1, 1]} : vector<16x128xf32> to vector<1x128xf32>
      %mul3A_398 = arith.mulf %slice3A_397, %slice3A_397 : vector<1x128xf32>
      %reduce_sum3A_399 = vector.shape_cast %mul3A_398 : vector<1x128xf32> to vector<1x1x128xf32>
      %reduce_sum3A_400 = arith.constant dense<0.000000e+00> : vector<1xf32>
      %reduce_sum3A_401 = vector.multi_reduction <add>, %reduce_sum3A_399, %reduce_sum3A_400 [1, 2] : vector<1x1x128xf32> to vector<1xf32>
      %reduce_sum3A_402 = vector.shape_cast %reduce_sum3A_401 : vector<1xf32> to vector<1x1x1xf32>
      %reduce_sum3A_403 = vector.extract %reduce_sum3A_402[0, 0, 0] : f32 from vector<1x1x1xf32>
      %add3A_404 = arith.constant 9.99999997E-7 : f32
      %add3A_405 = arith.addf %reduce_sum3A_403, %add3A_404 : f32
      %rsqrt3A_406 = math.rsqrt %add3A_405 : f32
      %mul3A_407 = vector.broadcast %rsqrt3A_406 : f32 to vector<1x128xf32>
      %mul3A_408 = arith.mulf %slice3A_397, %mul3A_407 : vector<1x128xf32>
      %get3A_409 = arith.constant 0 : index
      %get3A_410 = arith.constant 896 : index
      %get3A_411 = arith.constant 0 : index
      %get3A_412 = vector.load %arg2[%get3A_409, %get3A_410, %get3A_411] : memref<1x1072x128xf32, #tpu.memory_space<vmem>>, vector<1x128x128xf32>
      %get3A_413 = vector.shape_cast %get3A_412 : vector<1x128x128xf32> to vector<128x128xf32>
      %slice3A_414 = vector.extract_strided_slice %mul3A_86 {offsets = [0, 7], sizes = [1, 1], strides = [1, 1]} : vector<1x8xf32> to vector<1x1xf32>
      %squeeze3A_415 = vector.extract %slice3A_414[0, 0] : f32 from vector<1x1xf32>
      %exp3A_416 = math.exp %squeeze3A_415 : f32
      %mul3A_417 = vector.broadcast %exp3A_416 : f32 to vector<128x128xf32>
      %mul3A_418 = arith.mulf %get3A_413, %mul3A_417 : vector<128x128xf32>
      %mul3A_419 = vector.broadcast %mul3A_408 : vector<1x128xf32> to vector<128x128xf32>
      %mul3A_420 = arith.mulf %mul3A_418, %mul3A_419 : vector<128x128xf32>
      %reduce_sum3A_421 = arith.constant dense<0.000000e+00> : vector<128xf32>
      %reduce_sum3A_422 = vector.multi_reduction <add>, %mul3A_420, %reduce_sum3A_421 [1] : vector<128x128xf32> to vector<128xf32>
      %broadcast_in_dim3A_423 = vector.shape_cast %reduce_sum3A_422 : vector<128xf32> to vector<128x1xf32>
      %slice3A_424 = vector.extract_strided_slice %transpose3A {offsets = [0, 7], sizes = [128, 1], strides = [1, 1]} : vector<128x8xf32> to vector<128x1xf32>
      %sub3A_425 = arith.subf %slice3A_424, %broadcast_in_dim3A_423 : vector<128x1xf32>
      %slice3A_426 = vector.extract_strided_slice %div3A_101 {offsets = [0, 7], sizes = [1, 1], strides = [1, 1]} : vector<1x8xf32> to vector<1x1xf32>
      %squeeze3A_427 = vector.extract %slice3A_426[0, 0] : f32 from vector<1x1xf32>
      %mul3A_428 = vector.broadcast %squeeze3A_427 : f32 to vector<128x1xf32>
      %mul3A_429 = arith.mulf %sub3A_425, %mul3A_428 : vector<128x1xf32>
      %mul3A_430 = vector.broadcast %mul3A_429 : vector<128x1xf32> to vector<128x128xf32>
      %mul3A_431 = vector.broadcast %mul3A_408 : vector<1x128xf32> to vector<128x128xf32>
      %mul3A_432 = arith.mulf %mul3A_430, %mul3A_431 : vector<128x128xf32>
      %add3A_433 = arith.addf %mul3A_418, %mul3A_432 : vector<128x128xf32>
      %swap3A_434 = arith.constant 0 : index
      %swap3A_435 = arith.constant 896 : index
      %swap3A_436 = arith.constant 0 : index
      %swap3A_437 = vector.load %arg9[%swap3A_434, %swap3A_435, %swap3A_436] : memref<1x1072x128xf32, #tpu.memory_space<vmem>>, vector<1x128x128xf32>
      %swap3A_438 = vector.shape_cast %swap3A_437 : vector<1x128x128xf32> to vector<128x128xf32>
      %swap3A_439 = vector.shape_cast %add3A_433 : vector<128x128xf32> to vector<1x128x128xf32>
      tpu.vector_store %arg9[%swap3A_434, %swap3A_435, %swap3A_436], %swap3A_439 {strides = array<i32>} : memref<1x1072x128xf32, #tpu.memory_space<vmem>>, vector<1x128x128xf32>,
      %get3A_440 = arith.constant 0 : index
      %get3A_441 = arith.constant 1040 : index
      %get3A_442 = arith.constant 0 : index
      %get3A_443 = vector.load %arg2[%get3A_440, %get3A_441, %get3A_442] : memref<1x1072x128xf32, #tpu.memory_space<vmem>>, vector<1x32x128xf32>
      %get3A_444 = vector.shape_cast %get3A_443 : vector<1x32x128xf32> to vector<32x128xf32>
      %swap3A_445 = arith.constant 0 : index
      %swap3A_446 = arith.constant 1024 : index
      %swap3A_447 = arith.constant 0 : index
      %swap3A_448 = vector.load %arg9[%swap3A_445, %swap3A_446, %swap3A_447] : memref<1x1072x128xf32, #tpu.memory_space<vmem>>, vector<1x32x128xf32>
      %swap3A_449 = vector.shape_cast %swap3A_448 : vector<1x32x128xf32> to vector<32x128xf32>
      %swap3A_450 = vector.shape_cast %get3A_444 : vector<32x128xf32> to vector<1x32x128xf32>
      tpu.vector_store %arg9[%swap3A_445, %swap3A_446, %swap3A_447], %swap3A_450 {strides = array<i32>} : memref<1x1072x128xf32, #tpu.memory_space<vmem>>, vector<1x32x128xf32>,
      %get3A_451 = arith.constant 0 : index
      %get3A_452 = arith.constant 0 : index
      %get3A_453 = arith.constant 0 : index
      %get3A_454 = vector.load %arg3[%get3A_451, %get3A_452, %get3A_453] : memref<1x16x128xf32, #tpu.memory_space<vmem>>, vector<1x16x128xf32>
      %get3A_455 = vector.shape_cast %get3A_454 : vector<1x16x128xf32> to vector<16x128xf32>
      %swap3A_456 = arith.constant 0 : index
      %swap3A_457 = arith.constant 1056 : index
      %swap3A_458 = arith.constant 0 : index
      %swap3A_459 = vector.load %arg9[%swap3A_456, %swap3A_457, %swap3A_458] : memref<1x1072x128xf32, #tpu.memory_space<vmem>>, vector<1x16x128xf32>
      %swap3A_460 = vector.shape_cast %swap3A_459 : vector<1x16x128xf32> to vector<16x128xf32>
      %swap3A_461 = vector.shape_cast %get3A_455 : vector<16x128xf32> to vector<1x16x128xf32>
      tpu.vector_store %arg9[%swap3A_456, %swap3A_457, %swap3A_458], %swap3A_461 {strides = array<i32>} : memref<1x1072x128xf32, #tpu.memory_space<vmem>>, vector<1x16x128xf32>,
    } else {
    }
    return
  }
  func.func @transform_0(%arg0: i32, %arg1: memref<512xi32, #tpu.memory_space<smem>>) -> (i32, i32, i32) {
    %c0_i32 = arith.constant 0 : i32
    %c0_i32_0 = arith.constant 0 : i32
    %c0_i32_1 = arith.constant 0 : i32
    return %arg0, %c0_i32, %c0_i32_0 : i32, i32, i32
  }
  func.func @transform_1(%arg0: i32, %arg1: memref<512xi32, #tpu.memory_space<smem>>) -> (i32, i32, i32) {
    %get3A = arith.index_cast %arg0 : i32 to index
    %get3A_0 = memref.load %arg1[%get3A] : memref<512xi32, #tpu.memory_space<smem>>
    %max3A = arith.constant 0 : i32
    %max3A_1 = arith.maxsi %get3A_0, %max3A : i32
    %c0_i32 = arith.constant 0 : i32
    %c0_i32_2 = arith.constant 0 : i32
    %c0_i32_3 = arith.constant 0 : i32
    return %max3A_1, %c0_i32, %c0_i32_2 : i32, i32, i32
  }
  func.func @transform_2(%arg0: i32, %arg1: memref<512xi32, #tpu.memory_space<smem>>) -> (i32, i32, i32) {
    %get3A = arith.index_cast %arg0 : i32 to index
    %get3A_0 = memref.load %arg1[%get3A] : memref<512xi32, #tpu.memory_space<smem>>
    %max3A = arith.constant 0 : i32
    %max3A_1 = arith.maxsi %get3A_0, %max3A : i32
    %c0_i32 = arith.constant 0 : i32
    %c0_i32_2 = arith.constant 0 : i32
    %c0_i32_3 = arith.constant 0 : i32
    return %max3A_1, %c0_i32, %c0_i32_2 : i32, i32, i32
  }
  func.func @transform_3(%arg0: i32, %arg1: memref<512xi32, #tpu.memory_space<smem>>) -> (i32, i32, i32) {
    %get3A = arith.index_cast %arg0 : i32 to index
    %get3A_0 = memref.load %arg1[%get3A] : memref<512xi32, #tpu.memory_space<smem>>
    %max3A = arith.constant 0 : i32
    %max3A_1 = arith.maxsi %get3A_0, %max3A : i32
    %c0_i32 = arith.constant 0 : i32
    %c0_i32_2 = arith.constant 0 : i32
    %c0_i32_3 = arith.constant 0 : i32
    return %max3A_1, %c0_i32, %c0_i32_2 : i32, i32, i32
  }
  func.func @transform_4(%arg0: i32, %arg1: memref<512xi32, #tpu.memory_space<smem>>) -> (i32, i32) {
    %c0_i32 = arith.constant 0 : i32
    %c0_i32_0 = arith.constant 0 : i32
    %c0_i32_1 = arith.constant 0 : i32
    return %c0_i32, %c0_i32_0 : i32, i32
  }
  func.func @transform_5(%arg0: i32, %arg1: memref<512xi32, #tpu.memory_space<smem>>) -> (i32, i32) {
    %c0_i32 = arith.constant 0 : i32
    %c0_i32_0 = arith.constant 0 : i32
    %c0_i32_1 = arith.constant 0 : i32
    return %c0_i32, %c0_i32_0 : i32, i32
  }
  func.func @transform_6(%arg0: i32, %arg1: memref<512xi32, #tpu.memory_space<smem>>) -> (i32, i32, i32) {
    %c0_i32 = arith.constant 0 : i32
    %c0_i32_0 = arith.constant 0 : i32
    %c0_i32_1 = arith.constant 0 : i32
    %c0_i32_2 = arith.constant 0 : i32
    return %c0_i32, %c0_i32_0, %c0_i32_1 : i32, i32, i32
  }
  func.func @transform_7(%arg0: i32, %arg1: memref<512xi32, #tpu.memory_space<smem>>) -> (i32, i32, i32) {
    %c0_i32 = arith.constant 0 : i32
    %c0_i32_0 = arith.constant 0 : i32
    %c0_i32_1 = arith.constant 0 : i32
    return %arg0, %c0_i32, %c0_i32_0 : i32, i32, i32
  }
}

</mosaic_0001>

<sc_bundles>
// kernel: sparse-core-data-format-call.1.cloned.1.call-start
scs
called_computation.1_lowered:
.L_overlay_start_0:
0x0: {  	s2 =	sld [smem:$0x3FD9]  }
0x1: {  	s3 =	sld [smem:$0x3FFE];
	_ =	sdelay $0x1  }
0x2: {  	s1 =	srdreg.scid  }
0x3: {  	s0 =	sand.u32 $0x1, s1  }
0x4: {  	s18 =	sshll.u32 s0, $0xA;
	s2 =	sadd.s32 s3, s2  }
0x5: {  	s2 =	sadd.s32 s2, s18  }
0x6: {  	[smem:$0x3FC0] =	sst s2  }
0x7: {  	_ = 	snop  }
0x8: {  	s2 =	sld [smem:$0x3FC6];
	(tm) =	ssettm $0x1  }
0x9: {  	s19 =	sld [smem:$0x3FFB];
	_ =	sdelay $0x3  }
0xa: {  	_ =	strace s19  }
0xb: {  	s3 =	sld [smem:$0x3FFC];
	_ =	sdelay $0x3  }
0xc: {  	_ =	strace s3  }
0xd: {  	s3 =	sld [smem:$0x3FFD];
	_ =	sdelay $0x3  }
0xe: {  	_ =	strace s3  }
0xf: {  	_ =	strace $0x8FFFFFFF  }
0x10: {  	s20 =	sld [smem:$0x3FDB];
	_ =	sdelay $0x1  }
0x11: {  	s4 =	simm.s32 $_scs_section_size  }
0x12: {  	s5 =	simm.s32 $_size__tile_overlayer_lowered;
	s6 =	simm.s32 $_tile_overlayer_lowered  }
0x13: {  	s23 =	simm.s32 $0x1BFF;
	s22 =	sshll.u32 s6, $0x1;
	s3 =	sadd.s32 s4, s20  }
0x14: {  	s7 =	simm.s32 $0x0;
	s21 =	sshll.u32 s5, $0x1;
	s5 =	sadd.s32 s22, s3  }
0x15: {  	[timem:s7], [sflag:s23] =	dma.local [hbm:s5], s21  }
0x16: {  	_ =	swait.ge [sflag:s23], s21  }
0x17: {  	s4 =	ssub.s32 $0x0, s21;
	[sflag:s23] =	ssyncset.done $0x0  }
0x18: {  	[sflag:s23] =	ssyncadd.s32 s4;
	_ =	sdelay $0x1  }
0x19: {  	s24 =	simm.s32 $0x1B8B  }
0x1a: {  	_ =	swait.ge [sflag:s24], $0x1  }
0x1b: {  	[sflag:s24] =	ssyncset.done $0x0  }
0x1c: {  	s26 =	simm.s32 $0x1B8E;
	s25 =	sld [smem:$0x3FFE];
	[sflag:s24] =	ssyncadd.s32 $0xFFFFFFFF  }
0x1d: {  	s27 =	simm.s32 $execute0_lowered;
	[smem:$0x3FD2] =	sst s26  }
0x1e: {  	s5 =	sshll.u32 s27, $0x1;
	_ =	strace $0x80000046;
	[dreg:$0x1] =	wrdreg $0xFFFFFFFF  }
0x1f: {  	s28 =	simm.s32 $_size_execute0_lowered;
	s3 =	sadd.s32 s3, s5;
	[dreg:$0x0] =	wrdreg $0x0  }
0x20: {  	s5 =	sshll.u32 s28, $0x1;
	[dreg:$0x2] =	wrdreg s3  }
0x21: {  	[dreg:$0x3] =	wrdreg s5  }
0x22: {  	[dreg:$0x4] =	wrdreg $0xC0  }
0x23: {  	_ =	task [dreg:s7], $0x5FFFF  }
0x24: {  	[dreg:$0x1] =	wrdreg $0xFFFFFFFF  }
0x25: {  	[dreg:$0x0] =	wrdreg $0x60  }
0x26: {  	[dreg:$0x2] =	wrdreg s2  }
0x27: {  	[dreg:$0x3] =	wrdreg s25  }
0x28: {  	[dreg:$0x4] =	wrdreg $0x9  }
0x29: {  	_ =	task.clear_ibuf [dreg:s7], $0x5FFFF;
	_ =	strace $0x90000046  }
0x2a: {  	s29 =	simm.s32 $0x9;
	_ =	strace $0x80000048  }
0x2b: {  	_ =	swait.ge [sflag:s29], $0x1  }
0x2c: {  	[sflag:s29] =	ssyncadd.s32 $0xFFFFFFFF  }
0x2d: {  	_ =	strace $0x90000048  }
0x2e: {  	_ =	sfence  }
0x2f: {  	s30 =	sld [smem:$0x0];
	_ =	sdelay $0x2  }
0x30: {  	s31 =	sshll.u32 s1, $0xD;
	s1 =	sshrl.u32 s1, $0x2  }
0x31: {  	s3 =	sand.u32 $0x4000, s31;
	s1 =	sadd.s32 s1, s30  }
0x32: {  	s0 =	sor.u32 s3, s0;
	s1 =	sshll.u32 s1, $0x11  }
0x33: {  	s0 =	sor.u32 s1, s0  }
0x34: {  	s0 =	sadd.s32 $0x8F2B, s0  }
0x35: {  	[sflag:s0] =	ssyncadd.remote.s32 $0x1  }
0x36: {  	_ =	sfence.sel $0xFFFF  }
0x37: {  	[dreg:$0x0] =	wrdreg $0xFFFFFFFF;
	(pc) =	sbr.abs _section_cstart, $3  }
0x38: {  	[dreg:$0x1] =	wrdreg $0xFFFFFFFF  }
0x39: {  	_ =	task.clear_ibuf [dreg:s7], $0x2FFFF;
	_ =	strace $0x9FFFFFFF  }
0x3a: {  	(tm) =	ssettm $0x7FFFFFFF  }
0x3b: {  	_ =	shalt  }
tec
execute0_lowered:
.L_overlay_start_1:
0x0: {  	(tag) =	ssettag $0x1  }
0x1: {  	s2 =	rddreg [dreg:$0x0]  }
0x2: {  	s1 =	rddreg [dreg:$0x1]  }
0x3: {  	s0 =	rddreg [dreg:$0x2];
	_ =	strace $0x80000047;
	s4 =	srdreg.scid  }
0x4: {  	s6 =	simm.s32 $0x2;
	s11 =	simm.s32 $0x0;
	p0 =	por $0x0, $0x0  }
.Ltmp0:
0x5: {  	s7 =	simm.s32 $0x21800;
	s12 =	simm.s32 $0x0;
	(pc) =	sbr.rel .LBB1_1-.Ltmp0, $4  }
0x6: {  	s9 =	simm.s32 $0x0;
	s3 =	sadd.s32 $0x2A00, s1;
	s5 =	sshll.u32 s4, $0x4  }
0x7: {  	s1 =	stileid.u32;
	s4 =	simm.s32 $0x1;
	s5 =	sand.u32 $0x10, s5  }
0x8: {  	s8 =	simm.s32 $0x0;
	[sflag:s4] =	ssyncpa.u1 $0x0;
	s5 =	sor.u32 s1, s5  }
0x9: {  	[sflag:s6] =	ssyncpa.u1 $0x0;
	s6 =	simm.s32 $0x800;
	s10 =	smov.u32 s5  }
.LBB1_7:
0xa: {  	s13 =	sadd.s32 $0x10, s9  }
0xb: {  	s11 =	sadd.s32 $0x20, s10;
	s15 =	smov.u32 s10;
	p2 =	sgt.s32 s13, $0x42F  }
0xc: {  	p1 =	slt.u32 s8, $0x2;
	s15 =	smov.u32 @p2 s11  }
0xd: {  	s8 =	sadd.s32 $0x1, s8;
	s13 =	simm.s32 @p2 $0x0;
	p2 =	sgt.s32 s15, $0x3F  }
0xe: {  	s15 =	smov.u32 @p2 s5;
	p2 =	sne.s32 s8, $0x88  }
.Ltmp1:
0xf: {  	_ = 	snop;
	(pc) =	sbr.rel @!p2 .LBB1_8-.Ltmp1, $4  }
0x10: {  	s14 =	simm.s32 @!p1 $0x2  }
0x11: {  	s12 =	smov.u32 s10;
	_ =	swait.ge @!p1 [sflag:s14], $0x4000  }
0x12: {  	p0 =	por !p0, !p0;
	s11 =	smov.u32 s9;
	[sflag:s14] =	ssyncset.done @!p1 $0x0  }
0x13: {  	s9 =	smov.u32 s13;
	[sflag:s14] =	ssyncadd.s32 @!p1 $0xFFFFC000;
	s10 =	smov.u32 s15  }
.LBB1_1:
0x14: {  	p1 =	sgt.u32 s8, $0x85  }
0x15: {  	s13 =	smul.u32 @!p1 $0x21800, s10  }
0x16: {  	s14 =	sxor.u32 @!p1 $0xFFFFFFFF, s8  }
0x17: {  	s15 =	sshll.u32 @!p1 s9, $0x7;
	s14 =	sshll.u32 @!p1 s14, $0xE;
	s13 =	sadd.s32 @!p1 s2, s13  }
0x18: {  	s14 =	sand.u32 @!p1 $0x4000, s14;
	s13 =	sadd.s32 @!p1 s15, s13;
	s15 =	simm.s32 @!p1 $0x0  }
0x19: {  	[tilespmem:s14], [sflag:$0x1] =	stream.linear.gather @!p1 [hbm4b:s13+s15], $0x4000, $0x38;
	[tilespmem:$0x10000] =	vst v63  }
0x1a: {  	p1 =	seq.s32 s8, $0x0  }
0x1b: {  	p2 =	seq.s32 @!p1 s8, $0x87  }
0x1c: {  	p1 =	por p1, p2  }
.Ltmp2:
0x1d: {  	_ = 	snop;
	(pc) =	sbr.rel @p1 .LBB1_7-.Ltmp2, $1  }
0x1e: {  	_ =	sdelay $0x3  }
0x1f: {  	s13 =	simm.s32 $0x1;
	_ =	swait.ge [sflag:s4], $0x4000;
	s16 =	sshll.u32 s8, $0xE  }
0x20: {  	s13 =	simm.s32 @!p0 $0x0;
	[sflag:s4] =	ssyncset.done $0x0;
	s31 =	sand.u32 $0x4000, s16  }
0x21: {  	s16 =	simm.s32 $0x0;
	s13 =	sshll.u32 s13, $0xE;
	[sflag:s4] =	ssyncadd.s32 $0xFFFFC000  }
0x22: {  	s14 =	sor.u32 $0x8040, s13;
	s15 =	sor.u32 $0x40, s13;
	s13 =	sor.u32 $0x8000, s31  }
.LBB1_3:
0x23: {  	v0 =	vmov s15;
	_ =	sdelay $0x3  }
0x24: {  	s18 =	simm.s32 $0x0  }
0x25: {  	v6 =	vld.idx.msk [tilespmem:v0+s18+$0x30 ss:$0x1], $0xffff  }
0x26: {  	v7 =	vld.idx.msk [tilespmem:v0+s18+$0xFFFFFFC0 ss:$0x1], $0xffff  }
0x27: {  	v5 =	vld.idx.msk [tilespmem:v0+s18+$0xFFFFFFD0 ss:$0x1], $0xffff  }
0x28: {  	v4 =	vld.idx.msk [tilespmem:v0+s18+$0xFFFFFFE0 ss:$0x1], $0xffff  }
0x29: {  	v3 =	vld.idx.msk [tilespmem:v0+s18+$0xFFFFFFF0 ss:$0x1], $0xffff  }
0x2a: {  	v1 =	vld.idx.msk [tilespmem:v0+s18+$0x0 ss:$0x1], $0xffff  }
0x2b: {  	v2 =	vld.idx.msk [tilespmem:v0+s18+$0x10 ss:$0x1], $0xffff;
	[tilespmem:s14+$0x30] =	vst v6  }
0x2c: {  	s17 =	simm.s32 $0x80;
	s19 =	simm.s32 $0x400;
	[tilespmem:s14+$0xFFFFFFC0] =	vst v7;
	v6 =	vld.idx.msk [tilespmem:v0+s18+$0x20 ss:$0x1], $0xffff;
	s18 =	smov.u32 s14  }
.LBB1_4:
0x2d: {  	p1 =	sne.s32 s19, $0xE00;
	v7 =	vld.idx.msk [tilespmem:v0+s17+$0x30 ss:$0x1], $0xffff;
	[tilespmem:s18+$0xFFFFFFD0] =	vst v5  }
0x2e: {  	v8 =	vld.idx.msk [tilespmem:v0+s17+$0xFFFFFFC0 ss:$0x1], $0xffff;
	[tilespmem:s18+$0xFFFFFFE0] =	vst v4  }
0x2f: {  	v5 =	vld.idx.msk [tilespmem:v0+s17+$0xFFFFFFD0 ss:$0x1], $0xffff;
	[tilespmem:s18+$0xFFFFFFF0] =	vst v3  }
.Ltmp3:
0x30: {  	v4 =	vld.idx.msk [tilespmem:v0+s17+$0xFFFFFFE0 ss:$0x1], $0xffff;
	[tilespmem:s18+$0x0] =	vst v1;
	(pc) =	sbr.rel @p1 .LBB1_4-.Ltmp3, $4  }
0x31: {  	v3 =	vld.idx.msk [tilespmem:v0+s17+$0xFFFFFFF0 ss:$0x1], $0xffff;
	[tilespmem:s18+$0x10] =	vst v2  }
0x32: {  	v1 =	vld.idx.msk [tilespmem:v0+s17+$0x0 ss:$0x1], $0xffff;
	[tilespmem:s18+$0x20] =	vst v6;
	s18 =	sadd.s32 $0x800, s18  }
0x33: {  	v2 =	vld.idx.msk [tilespmem:v0+s17+$0x10 ss:$0x1], $0xffff;
	[tilespmem:s18+$0x30] =	vst v7  }
0x34: {  	[tilespmem:s18+$0xFFFFFFC0] =	vst v8;
	v6 =	vld.idx.msk [tilespmem:v0+s17+$0x20 ss:$0x1], $0xffff;
	s17 =	sshra.s32 s19, $0x2;
	s19 =	sadd.s32 $0x200, s19  }
0x35: {  	_ =	sdelay $0x2  }
0x36: {  	[tilespmem:s18+$0xFFFFFFD0] =	vst v5  }
0x37: {  	v56 =	vld.idx.msk [tilespmem:v0+s17+$0x30 ss:$0x1], $0xffff;
	[tilespmem:s18+$0xFFFFFFE0] =	vst v4  }
0x38: {  	v57 =	vld.idx.msk [tilespmem:v0+s17+$0xFFFFFFC0 ss:$0x1], $0xffff;
	[tilespmem:s18+$0xFFFFFFF0] =	vst v3  }
0x39: {  	v58 =	vld.idx.msk [tilespmem:v0+s17+$0xFFFFFFD0 ss:$0x1], $0xffff;
	[tilespmem:s18+$0x0] =	vst v1  }
0x3a: {  	v59 =	vld.idx.msk [tilespmem:v0+s17+$0xFFFFFFE0 ss:$0x1], $0xffff;
	[tilespmem:s18+$0x10] =	vst v2  }
0x3b: {  	v60 =	vld.idx.msk [tilespmem:v0+s17+$0xFFFFFFF0 ss:$0x1], $0xffff;
	s31 =	sadd.s32 $0x800, s18;
	[tilespmem:s18+$0x20] =	vst v6  }
0x3c: {  	v61 =	vld.idx.msk [tilespmem:v0+s17+$0x0 ss:$0x1], $0xffff;
	[tilespmem:s31+$0x30] =	vst v56  }
0x3d: {  	v62 =	vld.idx.msk [tilespmem:v0+s17+$0x10 ss:$0x1], $0xffff;
	s16 =	sadd.s32 $0x1, s16;
	[tilespmem:s31+$0xFFFFFFC0] =	vst v57  }
0x3e: {  	v63 =	vld.idx.msk [tilespmem:v0+s17+$0x20 ss:$0x1], $0xffff;
	p1 =	sne.s32 s16, $0x10;
	[tilespmem:s31+$0xFFFFFFD0] =	vst v58  }
.Ltmp4:
0x3f: {  	[tilespmem:s31+$0xFFFFFFE0] =	vst v59;
	(pc) =	sbr.rel @p1 .LBB1_3-.Ltmp4, $4  }
0x40: {  	[tilespmem:s31+$0xFFFFFFF0] =	vst v60  }
0x41: {  	[tilespmem:s31+$0x0] =	vst v61  }
0x42: {  	[tilespmem:s31+$0x10] =	vst v62  }
0x43: {  	s14 =	sadd.s32 $0x80, s14;
	s15 =	sadd.s32 $0x400, s15;
	[tilespmem:s31+$0x20] =	vst v63  }
0x44: {  	s11 =	sand.u32 $0x1FFFFFF, s11  }
0x45: {  	s14 =	smulhi.u32 $0x1E9131B, s11;
	_ =	sdelay $0x1  }
0x46: {  	s12 =	smul.u32 $0x21800, s12;
	s14 =	sshrl.u32 s14, $0x3  }
0x47: {  	s14 =	smul.u32 $0x430, s14  }
.Ltmp5:
0x48: {  	_ = 	snop;
	(pc) =	sbr.rel .LBB1_7-.Ltmp5, $4  }
0x49: {  	s11 =	ssub.s32 s11, s14  }
0x4a: {  	s12 =	sadd.s32 s3, s12;
	s11 =	sshll.u32 s11, $0x4  }
0x4b: {  	s11 =	sadd.s32 s11, s12  }
0x4c: {  	[hbm4b:s11+s6] =	stream.strided.scatter [tilespmem:s13], [sflag:$0x2], $0x4000, s7, s6, $0x38;
	[tilespmem:$0x10000] =	vst v63  }
.LBB1_8:
0x4d: {  	_ =	sfence.sel $0x180000  }
0x4e: {  	s2 =	simm.s32 $0x1;
	[bflag:$0x0] =	sbarrier.arrive $0xFFFF  }
0x4f: {  	s31 =	simm.s32 $0x2;
	[sflag:s2] =	ssyncpa.u1 $0x1  }
0x50: {  	[sflag:s31] =	ssyncpa.u1 $0x1  }
0x51: {  	p0 =	sne.s32 s1, $0x0;
	_ =	strace $0x90000047  }
0x52: {  	s0 =	sadd.s32 @!p0 $0x100000, s0;
	[bflag:$0x2] =	sbarrier.arrive $0xFFFF  }
0x53: {  	[sflag:s0] =	ssyncadd.tile.s32 @!p0 $0x1;
	_ =	shalt  }
.Lfunc_end1:
_tile_overlayer_lowered:
.L_overlay_start_2:
0x54: {  	(tag) =	ssettag $0x2  }
0x55: {  	s0 =	rddreg [dreg:$0x0];
	s2 =	stileid.u32  }
0x56: {  	s1 =	rddreg [dreg:$0x1];
	p0 =	sne.s32 s2, $0x0  }
0x57: {  	s3 =	rddreg [dreg:$0x2];
	[bflag:$0x3] =	sbarrier.arrive $0xFFFF;
	s2 =	simm.s32 @!p0 $0x1C01  }
0x58: {  	[timem:s3], [sflag:s2] =	dma.local @!p0 [hbm:s0], s1  }
0x59: {  	s0 =	simm.s32 @!p0 $0x1  }
0x5a: {  	_ =	swait.ge @!p0 [sflag:s0], s1  }
0x5b: {  	s1 =	ssub.s32 @!p0 $0x0, s1;
	[sflag:s0] =	ssyncset.done @!p0 $0x0  }
0x5c: {  	[sflag:s0] =	ssyncadd.s32 @!p0 s1  }
0x5d: {  	[bflag:$0x3] =	sbarrier.arrive $0xFFFF  }
0x5e: {  	_ =	shalt  }

// kernel: sparse-core-data-format-call.cloned.1.call-start
scs
called_computation_lowered:
.L_overlay_start_0:
0x0: {  	s2 =	sld [smem:$0x3FD9]  }
0x1: {  	s3 =	sld [smem:$0x3FFE];
	_ =	sdelay $0x1  }
0x2: {  	s1 =	srdreg.scid  }
0x3: {  	s0 =	sand.u32 $0x1, s1  }
0x4: {  	s15 =	sshll.u32 s0, $0xA;
	s2 =	sadd.s32 s3, s2  }
0x5: {  	s2 =	sadd.s32 s2, s15  }
0x6: {  	[smem:$0x3FC0] =	sst s2  }
0x7: {  	_ = 	snop  }
0x8: {  	s2 =	sld [smem:$0x3FD0];
	_ =	sdelay $0x2  }
0x9: {  	s16 =	simm.s32 $0xA;
	s4 =	simm.s32 $0x10  }
0xa: {  	[smem:s4], [sflag:s16] =	dma.local [hbm:s2], $0x1  }
0xb: {  	_ =	swait.eq [sflag:s16], $0x1  }
0xc: {  	[sflag:s16] =	ssyncset.done $0x0  }
0xd: {  	[sflag:s16] =	ssyncadd.s32 $0xFFFFFFFF  }
0xe: {  	s17 =	sld [smem:$0x11];
	(tm) =	ssettm $0x1  }
0xf: {  	s18 =	sld [smem:$0x3FFB];
	_ =	sdelay $0x3  }
0x10: {  	_ =	strace s18  }
0x11: {  	s3 =	sld [smem:$0x3FFC];
	_ =	sdelay $0x3  }
0x12: {  	_ =	strace s3  }
0x13: {  	s3 =	sld [smem:$0x3FFD];
	_ =	sdelay $0x3  }
0x14: {  	_ =	strace s3  }
0x15: {  	_ =	strace $0x8FFFFFFF  }
0x16: {  	s19 =	sld [smem:$0x3FDB];
	_ =	sdelay $0x1  }
0x17: {  	s20 =	simm.s32 $_scs_section_size  }
0x18: {  	s5 =	simm.s32 $_size__tile_overlayer_lowered;
	s6 =	simm.s32 $_tile_overlayer_lowered  }
0x19: {  	s23 =	simm.s32 $0x1BFF;
	s22 =	sshll.u32 s6, $0x1;
	s3 =	sadd.s32 s20, s19  }
0x1a: {  	s7 =	simm.s32 $0x0;
	s21 =	sshll.u32 s5, $0x1;
	s5 =	sadd.s32 s22, s3  }
0x1b: {  	[timem:s7], [sflag:s23] =	dma.local [hbm:s5], s21  }
0x1c: {  	_ =	swait.ge [sflag:s23], s21  }
0x1d: {  	s4 =	ssub.s32 $0x0, s21;
	[sflag:s23] =	ssyncset.done $0x0  }
0x1e: {  	[sflag:s23] =	ssyncadd.s32 s4;
	_ =	sdelay $0x1  }
0x1f: {  	s24 =	simm.s32 $0x1B8B  }
0x20: {  	_ =	swait.ge [sflag:s24], $0x1  }
0x21: {  	[sflag:s24] =	ssyncset.done $0x0  }
0x22: {  	s26 =	simm.s32 $0x1B8E;
	s25 =	sld [smem:$0x3FFE];
	[sflag:s24] =	ssyncadd.s32 $0xFFFFFFFF  }
0x23: {  	s27 =	simm.s32 $execute0_lowered;
	[smem:$0x3FD2] =	sst s26  }
0x24: {  	s5 =	sshll.u32 s27, $0x1;
	_ =	strace $0x80000049;
	[dreg:$0x1] =	wrdreg $0xFFFFFFFF  }
0x25: {  	s28 =	simm.s32 $_size_execute0_lowered;
	s3 =	sadd.s32 s3, s5;
	[dreg:$0x0] =	wrdreg $0x0  }
0x26: {  	s5 =	sshll.u32 s28, $0x1;
	[dreg:$0x2] =	wrdreg s3  }
0x27: {  	[dreg:$0x3] =	wrdreg s5  }
0x28: {  	[dreg:$0x4] =	wrdreg $0xC0  }
0x29: {  	_ =	task [dreg:s7], $0x5FFFF  }
0x2a: {  	[dreg:$0x1] =	wrdreg $0xFFFFFFFF  }
0x2b: {  	[dreg:$0x0] =	wrdreg $0x60  }
0x2c: {  	[dreg:$0x2] =	wrdreg s25  }
0x2d: {  	[dreg:$0x3] =	wrdreg s17  }
0x2e: {  	[dreg:$0x4] =	wrdreg $0x9  }
0x2f: {  	_ =	task.clear_ibuf [dreg:s7], $0x5FFFF;
	_ =	strace $0x90000049  }
0x30: {  	s29 =	simm.s32 $0x9;
	_ =	strace $0x8000004B  }
0x31: {  	_ =	swait.ge [sflag:s29], $0x1  }
0x32: {  	[sflag:s29] =	ssyncadd.s32 $0xFFFFFFFF  }
0x33: {  	_ =	strace $0x9000004B  }
0x34: {  	_ =	sfence  }
0x35: {  	s30 =	sld [smem:$0x0];
	_ =	sdelay $0x2  }
0x36: {  	s31 =	sshll.u32 s1, $0xD;
	s1 =	sshrl.u32 s1, $0x2  }
0x37: {  	s3 =	sand.u32 $0x4000, s31;
	s1 =	sadd.s32 s1, s30  }
0x38: {  	s0 =	sor.u32 s3, s0;
	s1 =	sshll.u32 s1, $0x11  }
0x39: {  	s0 =	sor.u32 s1, s0  }
0x3a: {  	s0 =	sadd.s32 $0x8F2B, s0  }
0x3b: {  	[sflag:s0] =	ssyncadd.remote.s32 $0x1  }
0x3c: {  	_ =	sfence.sel $0xFFFF  }
0x3d: {  	[dreg:$0x0] =	wrdreg $0xFFFFFFFF;
	(pc) =	sbr.abs _section_cstart, $3  }
0x3e: {  	[dreg:$0x1] =	wrdreg $0xFFFFFFFF  }
0x3f: {  	_ =	task.clear_ibuf [dreg:s7], $0x2FFFF;
	_ =	strace $0x9FFFFFFF  }
0x40: {  	(tm) =	ssettm $0x7FFFFFFF  }
0x41: {  	_ =	shalt  }
tec
execute0_lowered:
.L_overlay_start_1:
0x0: {  	(tag) =	ssettag $0x1  }
0x1: {  	s1 =	rddreg [dreg:$0x0]  }
0x2: {  	s2 =	rddreg [dreg:$0x1]  }
0x3: {  	s0 =	rddreg [dreg:$0x2]  }
0x4: {  	s4 =	srdreg.scid;
	_ =	strace $0x8000004A;
	s6 =	simm.s32 $0x2  }
0x5: {  	p0 =	por $0x0, $0x0;
	s11 =	simm.s32 $0x0;
	s12 =	simm.s32 $0x0  }
.Ltmp0:
0x6: {  	s13 =	simm.s32 $0x0;
	s8 =	simm.s32 $0x0;
	(pc) =	sbr.rel .LBB1_1-.Ltmp0, $4  }
0x7: {  	s9 =	simm.s32 $0x0;
	s3 =	sadd.s32 $0x86B600, s1;
	s4 =	sshll.u32 s4, $0x4  }
0x8: {  	s1 =	stileid.u32;
	s5 =	sand.u32 $0x10, s4;
	s4 =	simm.s32 $0x1  }
0x9: {  	s7 =	simm.s32 $0x0;
	s5 =	sor.u32 s1, s5;
	[sflag:s4] =	ssyncpa.u1 $0x0  }
0xa: {  	[sflag:s6] =	ssyncpa.u1 $0x0;
	s6 =	simm.s32 $0x0;
	s10 =	smov.u32 s5  }
.LBB1_7:
0xb: {  	s14 =	sadd.s32 $0x10, s8  }
0xc: {  	s11 =	sadd.s32 $0x8, s9;
	s15 =	smov.u32 s9;
	p2 =	sgt.s32 s14, $0x42F  }
0xd: {  	s15 =	smov.u32 @p2 s11  }
0xe: {  	s17 =	smov.u32 s10;
	s11 =	sadd.s32 $0x20, s10;
	p3 =	sgt.s32 s15, $0x7  }
0xf: {  	p1 =	slt.u32 s7, $0x2;
	s17 =	smov.u32 @p3 s11  }
0x10: {  	s7 =	sadd.s32 $0x1, s7;
	s14 =	simm.s32 @p2 $0x0;
	p2 =	sgt.s32 s17, $0x3F  }
0x11: {  	s17 =	smov.u32 @p2 s5;
	p2 =	sne.s32 s7, $0x88  }
.Ltmp1:
0x12: {  	s16 =	simm.s32 @!p1 $0x2;
	(pc) =	sbr.rel @!p2 .LBB1_8-.Ltmp1, $4  }
0x13: {  	s12 =	smov.u32 s9;
	_ =	swait.ge @!p1 [sflag:s16], $0x4000  }
0x14: {  	s13 =	smov.u32 s10;
	p0 =	por !p0, !p0;
	[sflag:s16] =	ssyncset.done @!p1 $0x0  }
0x15: {  	s15 =	simm.s32 @p3 $0x0;
	s11 =	smov.u32 s8;
	[sflag:s16] =	ssyncadd.s32 @!p1 $0xFFFFC000  }
0x16: {  	s8 =	smov.u32 s14;
	s9 =	smov.u32 s15;
	s10 =	smov.u32 s17  }
.LBB1_1:
0x17: {  	p1 =	sgt.u32 s7, $0x85  }
0x18: {  	s14 =	sand.u32 @!p1 $0x1FFFFFF, s8  }
0x19: {  	s15 =	smulhi.u32 @!p1 $0x1E9131B, s14  }
0x1a: {  	s16 =	smul.u32 @!p1 $0x21800, s10  }
0x1b: {  	s18 =	smul.u32 @!p1 $0x4300, s9;
	s15 =	sshrl.u32 @!p1 s15, $0x3  }
0x1c: {  	s15 =	smul.u32 @!p1 $0x430, s15  }
0x1d: {  	s16 =	sadd.s32 @!p1 s3, s16  }
0x1e: {  	s17 =	sxor.u32 @!p1 $0xFFFFFFFF, s7;
	s16 =	sadd.s32 @!p1 s18, s16;
	s14 =	ssub.s32 @!p1 s14, s15  }
0x1f: {  	s15 =	sshll.u32 @!p1 s17, $0xE;
	s17 =	simm.s32 @!p1 $0x21800;
	s14 =	sshll.u32 @!p1 s14, $0x4  }
0x20: {  	s15 =	sand.u32 @!p1 $0x4000, s15;
	s14 =	sadd.s32 @!p1 s14, s16;
	s16 =	simm.s32 @!p1 $0x800  }
0x21: {  	[tilespmem:s15], [sflag:$0x1] =	stream.strided.gather @!p1 [hbm4b:s14+s16], $0x4000, s17, s16, $0x38;
	[tilespmem:$0x10000] =	vst v63  }
0x22: {  	p1 =	seq.s32 s7, $0x0  }
0x23: {  	p2 =	seq.s32 @!p1 s7, $0x87  }
0x24: {  	p1 =	por p1, p2  }
.Ltmp2:
0x25: {  	_ = 	snop;
	(pc) =	sbr.rel @p1 .LBB1_7-.Ltmp2, $1  }
0x26: {  	_ =	sdelay $0x3  }
0x27: {  	s14 =	simm.s32 $0x1;
	_ =	swait.ge [sflag:s4], $0x4000;
	s17 =	sshll.u32 s7, $0xE  }
0x28: {  	s14 =	simm.s32 @!p0 $0x0;
	[sflag:s4] =	ssyncset.done $0x0;
	s31 =	sand.u32 $0x4000, s17  }
0x29: {  	s17 =	simm.s32 $0x0;
	s14 =	sshll.u32 s14, $0xE;
	[sflag:s4] =	ssyncadd.s32 $0xFFFFC000  }
0x2a: {  	s15 =	sor.u32 $0x8040, s14;
	s16 =	sor.u32 $0x40, s14;
	s14 =	sor.u32 $0x8000, s31  }
.LBB1_3:
0x2b: {  	v0 =	vmov s16;
	_ =	sdelay $0x3  }
0x2c: {  	s19 =	simm.s32 $0x0  }
0x2d: {  	v6 =	vld.idx.msk [tilespmem:v0+s19+$0x30 ss:$0x1], $0xffff  }
0x2e: {  	v7 =	vld.idx.msk [tilespmem:v0+s19+$0xFFFFFFC0 ss:$0x1], $0xffff  }
0x2f: {  	v5 =	vld.idx.msk [tilespmem:v0+s19+$0xFFFFFFD0 ss:$0x1], $0xffff  }
0x30: {  	v4 =	vld.idx.msk [tilespmem:v0+s19+$0xFFFFFFE0 ss:$0x1], $0xffff  }
0x31: {  	v3 =	vld.idx.msk [tilespmem:v0+s19+$0xFFFFFFF0 ss:$0x1], $0xffff  }
0x32: {  	v1 =	vld.idx.msk [tilespmem:v0+s19+$0x0 ss:$0x1], $0xffff  }
0x33: {  	v2 =	vld.idx.msk [tilespmem:v0+s19+$0x10 ss:$0x1], $0xffff;
	[tilespmem:s15+$0x30] =	vst v6  }
0x34: {  	s18 =	simm.s32 $0x80;
	s20 =	simm.s32 $0x400;
	[tilespmem:s15+$0xFFFFFFC0] =	vst v7;
	v6 =	vld.idx.msk [tilespmem:v0+s19+$0x20 ss:$0x1], $0xffff;
	s19 =	smov.u32 s15  }
.LBB1_4:
0x35: {  	p1 =	sne.s32 s20, $0x1E00;
	v7 =	vld.idx.msk [tilespmem:v0+s18+$0x30 ss:$0x1], $0xffff;
	[tilespmem:s19+$0xFFFFFFD0] =	vst v5  }
0x36: {  	v8 =	vld.idx.msk [tilespmem:v0+s18+$0xFFFFFFC0 ss:$0x1], $0xffff;
	[tilespmem:s19+$0xFFFFFFE0] =	vst v4  }
0x37: {  	v5 =	vld.idx.msk [tilespmem:v0+s18+$0xFFFFFFD0 ss:$0x1], $0xffff;
	[tilespmem:s19+$0xFFFFFFF0] =	vst v3  }
.Ltmp3:
0x38: {  	v4 =	vld.idx.msk [tilespmem:v0+s18+$0xFFFFFFE0 ss:$0x1], $0xffff;
	[tilespmem:s19+$0x0] =	vst v1;
	(pc) =	sbr.rel @p1 .LBB1_4-.Ltmp3, $4  }
0x39: {  	v3 =	vld.idx.msk [tilespmem:v0+s18+$0xFFFFFFF0 ss:$0x1], $0xffff;
	[tilespmem:s19+$0x10] =	vst v2  }
0x3a: {  	v1 =	vld.idx.msk [tilespmem:v0+s18+$0x0 ss:$0x1], $0xffff;
	[tilespmem:s19+$0x20] =	vst v6;
	s19 =	sadd.s32 $0x400, s19  }
0x3b: {  	v2 =	vld.idx.msk [tilespmem:v0+s18+$0x10 ss:$0x1], $0xffff;
	[tilespmem:s19+$0x30] =	vst v7  }
0x3c: {  	[tilespmem:s19+$0xFFFFFFC0] =	vst v8;
	v6 =	vld.idx.msk [tilespmem:v0+s18+$0x20 ss:$0x1], $0xffff;
	s18 =	sshra.s32 s20, $0x2;
	s20 =	sadd.s32 $0x200, s20  }
0x3d: {  	_ =	sdelay $0x2  }
0x3e: {  	[tilespmem:s19+$0xFFFFFFD0] =	vst v5  }
0x3f: {  	v56 =	vld.idx.msk [tilespmem:v0+s18+$0x30 ss:$0x1], $0xffff;
	[tilespmem:s19+$0xFFFFFFE0] =	vst v4  }
0x40: {  	v57 =	vld.idx.msk [tilespmem:v0+s18+$0xFFFFFFC0 ss:$0x1], $0xffff;
	[tilespmem:s19+$0xFFFFFFF0] =	vst v3  }
0x41: {  	v58 =	vld.idx.msk [tilespmem:v0+s18+$0xFFFFFFD0 ss:$0x1], $0xffff;
	[tilespmem:s19+$0x0] =	vst v1  }
0x42: {  	v59 =	vld.idx.msk [tilespmem:v0+s18+$0xFFFFFFE0 ss:$0x1], $0xffff;
	[tilespmem:s19+$0x10] =	vst v2  }
0x43: {  	v60 =	vld.idx.msk [tilespmem:v0+s18+$0xFFFFFFF0 ss:$0x1], $0xffff;
	s31 =	sadd.s32 $0x400, s19;
	[tilespmem:s19+$0x20] =	vst v6  }
0x44: {  	v61 =	vld.idx.msk [tilespmem:v0+s18+$0x0 ss:$0x1], $0xffff;
	[tilespmem:s31+$0x30] =	vst v56  }
0x45: {  	v62 =	vld.idx.msk [tilespmem:v0+s18+$0x10 ss:$0x1], $0xffff;
	s17 =	sadd.s32 $0x1, s17;
	[tilespmem:s31+$0xFFFFFFC0] =	vst v57  }
0x46: {  	v63 =	vld.idx.msk [tilespmem:v0+s18+$0x20 ss:$0x1], $0xffff;
	p1 =	sne.s32 s17, $0x8;
	[tilespmem:s31+$0xFFFFFFD0] =	vst v58  }
.Ltmp4:
0x47: {  	[tilespmem:s31+$0xFFFFFFE0] =	vst v59;
	(pc) =	sbr.rel @p1 .LBB1_3-.Ltmp4, $4  }
0x48: {  	[tilespmem:s31+$0xFFFFFFF0] =	vst v60  }
0x49: {  	[tilespmem:s31+$0x0] =	vst v61  }
0x4a: {  	[tilespmem:s31+$0x10] =	vst v62  }
0x4b: {  	s15 =	sadd.s32 $0x80, s15;
	s16 =	sadd.s32 $0x800, s16;
	[tilespmem:s31+$0x20] =	vst v63  }
0x4c: {  	s13 =	smul.u32 $0x21800, s13  }
.Ltmp5:
0x4d: {  	_ = 	snop;
	(pc) =	sbr.rel .LBB1_7-.Ltmp5, $4  }
0x4e: {  	s11 =	sshll.u32 s11, $0x7;
	s12 =	sshll.u32 s12, $0x4;
	s13 =	sadd.s32 s2, s13  }
0x4f: {  	s12 =	sand.u32 $0x70, s12;
	s11 =	sadd.s32 s11, s13  }
0x50: {  	s11 =	sadd.s32 s12, s11  }
0x51: {  	[hbm4b:s11+s6] =	stream.linear.scatter [tilespmem:s14], [sflag:$0x2], $0x4000, $0x38;
	[tilespmem:$0x10000] =	vst v63  }
.LBB1_8:
0x52: {  	_ =	sfence.sel $0x180000  }
0x53: {  	s2 =	simm.s32 $0x1;
	[bflag:$0x0] =	sbarrier.arrive $0xFFFF  }
0x54: {  	s31 =	simm.s32 $0x2;
	[sflag:s2] =	ssyncpa.u1 $0x1  }
0x55: {  	[sflag:s31] =	ssyncpa.u1 $0x1  }
0x56: {  	p0 =	sne.s32 s1, $0x0;
	_ =	strace $0x9000004A  }
0x57: {  	s0 =	sadd.s32 @!p0 $0x100000, s0;
	[bflag:$0x2] =	sbarrier.arrive $0xFFFF  }
0x58: {  	[sflag:s0] =	ssyncadd.tile.s32 @!p0 $0x1;
	_ =	shalt  }
.Lfunc_end1:
_tile_overlayer_lowered:
.L_overlay_start_2:
0x59: {  	(tag) =	ssettag $0x2  }
0x5a: {  	s0 =	rddreg [dreg:$0x0];
	s2 =	stileid.u32  }
0x5b: {  	s1 =	rddreg [dreg:$0x1];
	p0 =	sne.s32 s2, $0x0  }
0x5c: {  	s3 =	rddreg [dreg:$0x2];
	[bflag:$0x3] =	sbarrier.arrive $0xFFFF;
	s2 =	simm.s32 @!p0 $0x1C01  }
0x5d: {  	[timem:s3], [sflag:s2] =	dma.local @!p0 [hbm:s0], s1  }
0x5e: {  	s0 =	simm.s32 @!p0 $0x1  }
0x5f: {  	_ =	swait.ge @!p0 [sflag:s0], s1  }
0x60: {  	s1 =	ssub.s32 @!p0 $0x0, s1;
	[sflag:s0] =	ssyncset.done @!p0 $0x0  }
0x61: {  	[sflag:s0] =	ssyncadd.s32 @!p0 s1  }
0x62: {  	[bflag:$0x3] =	sbarrier.arrive $0xFFFF  }
0x63: {  	_ =	shalt  }

</sc_bundles>
